<compile_context>
chip_gen: v7x
topology: tpu7x:2x2x1
jax: 0.10.2.dev20260603
libtpu: 0.0.44.dev20260713+nightly
codegen_flags: <defaults>
</compile_context>

<pallas_src>
import functools

import jax
import jax.numpy as jnp
from jax import lax
from jax.experimental import pallas as pl
from jax.experimental.pallas import tpu as pltpu
from jax.experimental.pallas import tpu_sc as plsc

VOCAB = 1000000
D = 32
NC = 2
NS = 16
NW = NC * NS
TOTAL = 16384 * 50
ROWS_PER_W = TOTAL // NW
CHUNK = 128
N_CHUNKS = ROWS_PER_W // CHUNK
K = 5
NBUF = 4
GROUP = K * CHUNK
N_GROUPS = N_CHUNKS // K
N_ITERS = N_GROUPS // NBUF


def _build_gather():
    mesh = plsc.VectorSubcoreMesh(core_axis_name="c", subcore_axis_name="s")

    @functools.partial(
        pl.kernel,
        mesh=mesh,
        compiler_params=pltpu.CompilerParams(use_tc_tiling_on_sc=False),
        out_type=jax.ShapeDtypeStruct((TOTAL, D), jnp.float32),
        scratch_types=[
            pltpu.VMEM((N_CHUNKS, CHUNK), jnp.int32),
            pltpu.VMEM((NBUF, GROUP, D), jnp.float32),
        ]
        + [pltpu.SemaphoreType.DMA] * (2 * NBUF),
    )
    def gather_kernel(table_hbm, idx_hbm, out_hbm, idx_v, rows_v, *sems):
        gsem = sems[:NBUF]
        wsem = sems[NBUF:]
        wid = lax.axis_index("s") * NC + lax.axis_index("c")
        base = wid * ROWS_PER_W
        pltpu.sync_copy(idx_hbm.at[wid], idx_v)

        def fire_gathers(g, b):
            for j in range(K):
                pltpu.async_copy(
                    table_hbm.at[idx_v.at[g * K + j]],
                    rows_v.at[b, pl.ds(j * CHUNK, CHUNK)],
                    gsem[b],
                )

        def drain_gathers(b):
            pltpu.make_async_copy(
                table_hbm.at[pl.ds(0, GROUP)], rows_v.at[b], gsem[b]
            ).wait()

        def out_slice(g):
            return out_hbm.at[pl.ds(base + g * GROUP, GROUP)]

        def fire_write(g, b):
            pltpu.async_copy(rows_v.at[b], out_slice(g), wsem[b])

        def wait_write(g, b):
            pltpu.make_async_copy(rows_v.at[b], out_slice(g), wsem[b]).wait()

        for b in range(NBUF):
            fire_gathers(b, b)

        def body(i, carry):
            g0 = i * NBUF
            for b in range(NBUF):
                drain_gathers(b)
                fire_write(g0 + b, b)
            for b in range(NBUF):
                wait_write(g0 + b, b)
                fire_gathers(g0 + NBUF + b, b)
            return carry

        lax.fori_loop(0, N_ITERS - 1, body, 0, unroll=False)

        g0 = (N_ITERS - 1) * NBUF
        for b in range(NBUF):
            drain_gathers(b)
            fire_write(g0 + b, b)
        for b in range(NBUF):
            wait_write(g0 + b, b)

    return gather_kernel


_gather = _build_gather()


def kernel(x, table):
    idx = x.T.astype(jnp.int32).reshape(NW, N_CHUNKS, CHUNK)
    out = _gather(table, idx)
    return jnp.transpose(out.reshape(x.shape[1], x.shape[0], D), (1, 0, 2))

# --- scband reference (transcript-rebuilt; emitter-appended) ---
"""Pipeline reference for scband-embedder-3530463117859 (READ-ONLY COPY).

The authoritative reference and input builder live on the scoring server;
editing this copy changes nothing except your own understanding.
"""

import jax, jax.numpy as jnp
import numpy as np

VOCAB = 1000000
EMBED_DIM = 32
BATCH = 16384
HIST_LEN = 50

def setup_inputs(seed: int = 0) -> dict:
    key = jax.random.key(seed)
    k1, k2 = jax.random.split(key)
    # Pretrained (frozen) embedding table passed to __init__ as text_embedding_vectors
    table = jax.random.normal(k1, (VOCAB, EMBED_DIM), dtype=jnp.float32)
    x = jax.random.randint(k2, (BATCH, HIST_LEN), 0, VOCAB, dtype=jnp.int64)
    return {"x": x, "table": table}

def reference(x, table):
    # nn.Embedding lookup: out[b, t, :] = table[x[b, t], :]
    x_vec = jnp.take(table, x, axis=0)
    return x_vec

if __name__ == "__main__":
    import jax
    _d = setup_inputs()
    print(jax.jit(kernel)(*tuple(_d.values())))

</pallas_src>

<mosaic_0001>
#map = affine_map<(d0, d1) -> (0, 0)>
#map1 = affine_map<(d0, d1) -> (0, 0, 0)>
module attributes {stable_mosaic.version = 14 : i64} {
  func.func @gather_kernel(%arg0: i32, %arg1: i32, %arg2: memref<1000000x32xf32, #tpu.memory_space<hbm>>, %arg3: memref<32x200x128xi32, #tpu.memory_space<hbm>>, %arg4: memref<819200x32xf32, #tpu.memory_space<hbm>>, %arg5: memref<200x128xi32, #tpu.memory_space<vmem>>, %arg6: memref<4x640x32xf32, #tpu.memory_space<vmem>>, %arg7: memref<!tpu.dma_semaphore, #tpu.memory_space<semaphore_mem>>, %arg8: memref<!tpu.dma_semaphore, #tpu.memory_space<semaphore_mem>>, %arg9: memref<!tpu.dma_semaphore, #tpu.memory_space<semaphore_mem>>, %arg10: memref<!tpu.dma_semaphore, #tpu.memory_space<semaphore_mem>>, %arg11: memref<!tpu.dma_semaphore, #tpu.memory_space<semaphore_mem>>, %arg12: memref<!tpu.dma_semaphore, #tpu.memory_space<semaphore_mem>>, %arg13: memref<!tpu.dma_semaphore, #tpu.memory_space<semaphore_mem>>, %arg14: memref<!tpu.dma_semaphore, #tpu.memory_space<semaphore_mem>>) attributes {dimension_semantics = [#tpu.dimension_semantics<core_parallel>, #tpu.dimension_semantics<subcore_parallel>], iteration_bounds = array<i64: 2, 16>, scalar_prefetch = 0 : i64, scratch_operands = 10 : i64, tpu.core_type = #tpu.core_type<sc_vector_subcore>, window_params = [{transform_indices = #map}, {transform_indices = #map1}, {transform_indices = #map}]} {
    %mul3A = arith.constant 2 : i32
    %mul3A_0 = arith.muli %arg1, %mul3A : i32
    %add3A = arith.addi %mul3A_0, %arg0 : i32
    %mul3A_1 = arith.constant 25600 : i32
    %mul3A_2 = arith.muli %add3A, %mul3A_1 : i32
    "tpu.region"() ({
      %run_scoped3A = tpu.sem_alloc : memref<!tpu.dma_semaphore, #tpu.memory_space<semaphore_mem>>
      %dma_start3A_426 = arith.constant 0 : i32
      %dma_start3A_427 = arith.constant 0 : i32
      %dma_start3A_428 = tpu.memref_slice %arg3[%add3A, %dma_start3A_426, %dma_start3A_427] : memref<32x200x128xi32, #tpu.memory_space<hbm>> -> memref<1x200x128xi32, #tpu.memory_space<hbm>>
      %dma_start3A_429 = tpu.memref_squeeze %dma_start3A_428 : memref<1x200x128xi32, #tpu.memory_space<hbm>> -> memref<200x128xi32, #tpu.memory_space<hbm>>
      %dma_start3A_430 = arith.constant 0 : i32
      %dma_start3A_431 = arith.constant 0 : i32
      %dma_start3A_432 = tpu.memref_slice %arg3[%add3A, %dma_start3A_430, %dma_start3A_431] : memref<32x200x128xi32, #tpu.memory_space<hbm>> -> memref<1x200x128xi32, #tpu.memory_space<hbm>>
      %dma_start3A_433 = tpu.memref_squeeze %dma_start3A_432 : memref<1x200x128xi32, #tpu.memory_space<hbm>> -> memref<200x128xi32, #tpu.memory_space<hbm>>
      tpu.enqueue_dma source(%dma_start3A_433 : memref<200x128xi32, #tpu.memory_space<hbm>>) target(%arg5 : memref<200x128xi32, #tpu.memory_space<vmem>>) target_semaphore(%run_scoped3A : memref<!tpu.dma_semaphore, #tpu.memory_space<semaphore_mem>>)
      %dma_wait3A_434 = arith.constant 0 : i32
      %dma_wait3A_435 = arith.constant 0 : i32
      %dma_wait3A_436 = tpu.memref_slice %arg3[%add3A, %dma_wait3A_434, %dma_wait3A_435] : memref<32x200x128xi32, #tpu.memory_space<hbm>> -> memref<1x200x128xi32, #tpu.memory_space<hbm>>
      %dma_wait3A_437 = tpu.memref_squeeze %dma_wait3A_436 : memref<1x200x128xi32, #tpu.memory_space<hbm>> -> memref<200x128xi32, #tpu.memory_space<hbm>>
      %dma_wait3A_438 = arith.constant 0 : i32
      %dma_wait3A_439 = arith.constant 0 : i32
      %dma_wait3A_440 = tpu.memref_slice %arg3[%add3A, %dma_wait3A_438, %dma_wait3A_439] : memref<32x200x128xi32, #tpu.memory_space<hbm>> -> memref<1x200x128xi32, #tpu.memory_space<hbm>>
      %dma_wait3A_441 = tpu.memref_squeeze %dma_wait3A_440 : memref<1x200x128xi32, #tpu.memory_space<hbm>> -> memref<200x128xi32, #tpu.memory_space<hbm>>
      tpu.wait_dma2 semaphore(%run_scoped3A : memref<!tpu.dma_semaphore, #tpu.memory_space<semaphore_mem>>) src(%dma_wait3A_441 : memref<200x128xi32, #tpu.memory_space<hbm>>) dst(%arg5 : memref<200x128xi32, #tpu.memory_space<vmem>>)
      tpu.yield
    }) : () -> ()
    %dma_start3A = arith.constant 0 : i32
    %dma_start3A_3 = arith.constant 0 : i32
    %dma_start3A_4 = arith.constant 0 : i32
    %dma_start3A_5 = arith.constant 0 : i32
    %dma_start3A_6 = tpu.memref_slice %arg6[%dma_start3A_3, %dma_start3A_4, %dma_start3A_5] : memref<4x640x32xf32, #tpu.memory_space<vmem>> -> memref<1x128x32xf32, #tpu.memory_space<vmem>>
    %dma_start3A_7 = tpu.memref_squeeze %dma_start3A_6 : memref<1x128x32xf32, #tpu.memory_space<vmem>> -> memref<128x32xf32, #tpu.memory_space<vmem>>
    %dma_start3A_8 = arith.constant 0 : i32
    %dma_start3A_9 = tpu.memref_slice %arg5[%dma_start3A, %dma_start3A_8] : memref<200x128xi32, #tpu.memory_space<vmem>> -> memref<1x128xi32, #tpu.memory_space<vmem>>
    %dma_start3A_10 = tpu.memref_squeeze %dma_start3A_9 : memref<1x128xi32, #tpu.memory_space<vmem>> -> memref<128xi32, #tpu.memory_space<vmem>>
    %dma_start3A_11 = arith.constant 0 : i32
    %dma_start3A_12 = arith.constant 0 : i32
    %dma_start3A_13 = tpu.memref_slice %arg2[%dma_start3A_11, %dma_start3A_12] : memref<1000000x32xf32, #tpu.memory_space<hbm>> -> memref<1000000x32xf32, #tpu.memory_space<hbm>>
    tpu.enqueue_indirect_dma source(%dma_start3A_13 : memref<1000000x32xf32, #tpu.memory_space<hbm>>) target(%dma_start3A_7 : memref<128x32xf32, #tpu.memory_space<vmem>>) offsets(%dma_start3A_10 : memref<128xi32, #tpu.memory_space<vmem>>) semaphore(%arg7 : memref<!tpu.dma_semaphore, #tpu.memory_space<semaphore_mem>>)
    %dma_start3A_14 = arith.constant 1 : i32
    %dma_start3A_15 = arith.constant 0 : i32
    %dma_start3A_16 = arith.constant 128 : i32
    %dma_start3A_17 = arith.constant 0 : i32
    %dma_start3A_18 = tpu.memref_slice %arg6[%dma_start3A_15, %dma_start3A_16, %dma_start3A_17] : memref<4x640x32xf32, #tpu.memory_space<vmem>> -> memref<1x128x32xf32, #tpu.memory_space<vmem>>
    %dma_start3A_19 = tpu.memref_squeeze %dma_start3A_18 : memref<1x128x32xf32, #tpu.memory_space<vmem>> -> memref<128x32xf32, #tpu.memory_space<vmem>>
    %dma_start3A_20 = arith.constant 0 : i32
    %dma_start3A_21 = tpu.memref_slice %arg5[%dma_start3A_14, %dma_start3A_20] : memref<200x128xi32, #tpu.memory_space<vmem>> -> memref<1x128xi32, #tpu.memory_space<vmem>>
    %dma_start3A_22 = tpu.memref_squeeze %dma_start3A_21 : memref<1x128xi32, #tpu.memory_space<vmem>> -> memref<128xi32, #tpu.memory_space<vmem>>
    %dma_start3A_23 = arith.constant 0 : i32
    %dma_start3A_24 = arith.constant 0 : i32
    %dma_start3A_25 = tpu.memref_slice %arg2[%dma_start3A_23, %dma_start3A_24] : memref<1000000x32xf32, #tpu.memory_space<hbm>> -> memref<1000000x32xf32, #tpu.memory_space<hbm>>
    tpu.enqueue_indirect_dma source(%dma_start3A_25 : memref<1000000x32xf32, #tpu.memory_space<hbm>>) target(%dma_start3A_19 : memref<128x32xf32, #tpu.memory_space<vmem>>) offsets(%dma_start3A_22 : memref<128xi32, #tpu.memory_space<vmem>>) semaphore(%arg7 : memref<!tpu.dma_semaphore, #tpu.memory_space<semaphore_mem>>)
    %dma_start3A_26 = arith.constant 2 : i32
    %dma_start3A_27 = arith.constant 0 : i32
    %dma_start3A_28 = arith.constant 256 : i32
    %dma_start3A_29 = arith.constant 0 : i32
    %dma_start3A_30 = tpu.memref_slice %arg6[%dma_start3A_27, %dma_start3A_28, %dma_start3A_29] : memref<4x640x32xf32, #tpu.memory_space<vmem>> -> memref<1x128x32xf32, #tpu.memory_space<vmem>>
    %dma_start3A_31 = tpu.memref_squeeze %dma_start3A_30 : memref<1x128x32xf32, #tpu.memory_space<vmem>> -> memref<128x32xf32, #tpu.memory_space<vmem>>
    %dma_start3A_32 = arith.constant 0 : i32
    %dma_start3A_33 = tpu.memref_slice %arg5[%dma_start3A_26, %dma_start3A_32] : memref<200x128xi32, #tpu.memory_space<vmem>> -> memref<1x128xi32, #tpu.memory_space<vmem>>
    %dma_start3A_34 = tpu.memref_squeeze %dma_start3A_33 : memref<1x128xi32, #tpu.memory_space<vmem>> -> memref<128xi32, #tpu.memory_space<vmem>>
    %dma_start3A_35 = arith.constant 0 : i32
    %dma_start3A_36 = arith.constant 0 : i32
    %dma_start3A_37 = tpu.memref_slice %arg2[%dma_start3A_35, %dma_start3A_36] : memref<1000000x32xf32, #tpu.memory_space<hbm>> -> memref<1000000x32xf32, #tpu.memory_space<hbm>>
    tpu.enqueue_indirect_dma source(%dma_start3A_37 : memref<1000000x32xf32, #tpu.memory_space<hbm>>) target(%dma_start3A_31 : memref<128x32xf32, #tpu.memory_space<vmem>>) offsets(%dma_start3A_34 : memref<128xi32, #tpu.memory_space<vmem>>) semaphore(%arg7 : memref<!tpu.dma_semaphore, #tpu.memory_space<semaphore_mem>>)
    %dma_start3A_38 = arith.constant 3 : i32
    %dma_start3A_39 = arith.constant 0 : i32
    %dma_start3A_40 = arith.constant 384 : i32
    %dma_start3A_41 = arith.constant 0 : i32
    %dma_start3A_42 = tpu.memref_slice %arg6[%dma_start3A_39, %dma_start3A_40, %dma_start3A_41] : memref<4x640x32xf32, #tpu.memory_space<vmem>> -> memref<1x128x32xf32, #tpu.memory_space<vmem>>
    %dma_start3A_43 = tpu.memref_squeeze %dma_start3A_42 : memref<1x128x32xf32, #tpu.memory_space<vmem>> -> memref<128x32xf32, #tpu.memory_space<vmem>>
    %dma_start3A_44 = arith.constant 0 : i32
    %dma_start3A_45 = tpu.memref_slice %arg5[%dma_start3A_38, %dma_start3A_44] : memref<200x128xi32, #tpu.memory_space<vmem>> -> memref<1x128xi32, #tpu.memory_space<vmem>>
    %dma_start3A_46 = tpu.memref_squeeze %dma_start3A_45 : memref<1x128xi32, #tpu.memory_space<vmem>> -> memref<128xi32, #tpu.memory_space<vmem>>
    %dma_start3A_47 = arith.constant 0 : i32
    %dma_start3A_48 = arith.constant 0 : i32
    %dma_start3A_49 = tpu.memref_slice %arg2[%dma_start3A_47, %dma_start3A_48] : memref<1000000x32xf32, #tpu.memory_space<hbm>> -> memref<1000000x32xf32, #tpu.memory_space<hbm>>
    tpu.enqueue_indirect_dma source(%dma_start3A_49 : memref<1000000x32xf32, #tpu.memory_space<hbm>>) target(%dma_start3A_43 : memref<128x32xf32, #tpu.memory_space<vmem>>) offsets(%dma_start3A_46 : memref<128xi32, #tpu.memory_space<vmem>>) semaphore(%arg7 : memref<!tpu.dma_semaphore, #tpu.memory_space<semaphore_mem>>)
    %dma_start3A_50 = arith.constant 4 : i32
    %dma_start3A_51 = arith.constant 0 : i32
    %dma_start3A_52 = arith.constant 512 : i32
    %dma_start3A_53 = arith.constant 0 : i32
    %dma_start3A_54 = tpu.memref_slice %arg6[%dma_start3A_51, %dma_start3A_52, %dma_start3A_53] : memref<4x640x32xf32, #tpu.memory_space<vmem>> -> memref<1x128x32xf32, #tpu.memory_space<vmem>>
    %dma_start3A_55 = tpu.memref_squeeze %dma_start3A_54 : memref<1x128x32xf32, #tpu.memory_space<vmem>> -> memref<128x32xf32, #tpu.memory_space<vmem>>
    %dma_start3A_56 = arith.constant 0 : i32
    %dma_start3A_57 = tpu.memref_slice %arg5[%dma_start3A_50, %dma_start3A_56] : memref<200x128xi32, #tpu.memory_space<vmem>> -> memref<1x128xi32, #tpu.memory_space<vmem>>
    %dma_start3A_58 = tpu.memref_squeeze %dma_start3A_57 : memref<1x128xi32, #tpu.memory_space<vmem>> -> memref<128xi32, #tpu.memory_space<vmem>>
    %dma_start3A_59 = arith.constant 0 : i32
    %dma_start3A_60 = arith.constant 0 : i32
    %dma_start3A_61 = tpu.memref_slice %arg2[%dma_start3A_59, %dma_start3A_60] : memref<1000000x32xf32, #tpu.memory_space<hbm>> -> memref<1000000x32xf32, #tpu.memory_space<hbm>>
    tpu.enqueue_indirect_dma source(%dma_start3A_61 : memref<1000000x32xf32, #tpu.memory_space<hbm>>) target(%dma_start3A_55 : memref<128x32xf32, #tpu.memory_space<vmem>>) offsets(%dma_start3A_58 : memref<128xi32, #tpu.memory_space<vmem>>) semaphore(%arg7 : memref<!tpu.dma_semaphore, #tpu.memory_space<semaphore_mem>>)
    %dma_start3A_62 = arith.constant 5 : i32
    %dma_start3A_63 = arith.constant 1 : i32
    %dma_start3A_64 = arith.constant 0 : i32
    %dma_start3A_65 = arith.constant 0 : i32
    %dma_start3A_66 = tpu.memref_slice %arg6[%dma_start3A_63, %dma_start3A_64, %dma_start3A_65] : memref<4x640x32xf32, #tpu.memory_space<vmem>> -> memref<1x128x32xf32, #tpu.memory_space<vmem>>
    %dma_start3A_67 = tpu.memref_squeeze %dma_start3A_66 : memref<1x128x32xf32, #tpu.memory_space<vmem>> -> memref<128x32xf32, #tpu.memory_space<vmem>>
    %dma_start3A_68 = arith.constant 0 : i32
    %dma_start3A_69 = tpu.memref_slice %arg5[%dma_start3A_62, %dma_start3A_68] : memref<200x128xi32, #tpu.memory_space<vmem>> -> memref<1x128xi32, #tpu.memory_space<vmem>>
    %dma_start3A_70 = tpu.memref_squeeze %dma_start3A_69 : memref<1x128xi32, #tpu.memory_space<vmem>> -> memref<128xi32, #tpu.memory_space<vmem>>
    %dma_start3A_71 = arith.constant 0 : i32
    %dma_start3A_72 = arith.constant 0 : i32
    %dma_start3A_73 = tpu.memref_slice %arg2[%dma_start3A_71, %dma_start3A_72] : memref<1000000x32xf32, #tpu.memory_space<hbm>> -> memref<1000000x32xf32, #tpu.memory_space<hbm>>
    tpu.enqueue_indirect_dma source(%dma_start3A_73 : memref<1000000x32xf32, #tpu.memory_space<hbm>>) target(%dma_start3A_67 : memref<128x32xf32, #tpu.memory_space<vmem>>) offsets(%dma_start3A_70 : memref<128xi32, #tpu.memory_space<vmem>>) semaphore(%arg8 : memref<!tpu.dma_semaphore, #tpu.memory_space<semaphore_mem>>)
    %dma_start3A_74 = arith.constant 6 : i32
    %dma_start3A_75 = arith.constant 1 : i32
    %dma_start3A_76 = arith.constant 128 : i32
    %dma_start3A_77 = arith.constant 0 : i32
    %dma_start3A_78 = tpu.memref_slice %arg6[%dma_start3A_75, %dma_start3A_76, %dma_start3A_77] : memref<4x640x32xf32, #tpu.memory_space<vmem>> -> memref<1x128x32xf32, #tpu.memory_space<vmem>>
    %dma_start3A_79 = tpu.memref_squeeze %dma_start3A_78 : memref<1x128x32xf32, #tpu.memory_space<vmem>> -> memref<128x32xf32, #tpu.memory_space<vmem>>
    %dma_start3A_80 = arith.constant 0 : i32
    %dma_start3A_81 = tpu.memref_slice %arg5[%dma_start3A_74, %dma_start3A_80] : memref<200x128xi32, #tpu.memory_space<vmem>> -> memref<1x128xi32, #tpu.memory_space<vmem>>
    %dma_start3A_82 = tpu.memref_squeeze %dma_start3A_81 : memref<1x128xi32, #tpu.memory_space<vmem>> -> memref<128xi32, #tpu.memory_space<vmem>>
    %dma_start3A_83 = arith.constant 0 : i32
    %dma_start3A_84 = arith.constant 0 : i32
    %dma_start3A_85 = tpu.memref_slice %arg2[%dma_start3A_83, %dma_start3A_84] : memref<1000000x32xf32, #tpu.memory_space<hbm>> -> memref<1000000x32xf32, #tpu.memory_space<hbm>>
    tpu.enqueue_indirect_dma source(%dma_start3A_85 : memref<1000000x32xf32, #tpu.memory_space<hbm>>) target(%dma_start3A_79 : memref<128x32xf32, #tpu.memory_space<vmem>>) offsets(%dma_start3A_82 : memref<128xi32, #tpu.memory_space<vmem>>) semaphore(%arg8 : memref<!tpu.dma_semaphore, #tpu.memory_space<semaphore_mem>>)
    %dma_start3A_86 = arith.constant 7 : i32
    %dma_start3A_87 = arith.constant 1 : i32
    %dma_start3A_88 = arith.constant 256 : i32
    %dma_start3A_89 = arith.constant 0 : i32
    %dma_start3A_90 = tpu.memref_slice %arg6[%dma_start3A_87, %dma_start3A_88, %dma_start3A_89] : memref<4x640x32xf32, #tpu.memory_space<vmem>> -> memref<1x128x32xf32, #tpu.memory_space<vmem>>
    %dma_start3A_91 = tpu.memref_squeeze %dma_start3A_90 : memref<1x128x32xf32, #tpu.memory_space<vmem>> -> memref<128x32xf32, #tpu.memory_space<vmem>>
    %dma_start3A_92 = arith.constant 0 : i32
    %dma_start3A_93 = tpu.memref_slice %arg5[%dma_start3A_86, %dma_start3A_92] : memref<200x128xi32, #tpu.memory_space<vmem>> -> memref<1x128xi32, #tpu.memory_space<vmem>>
    %dma_start3A_94 = tpu.memref_squeeze %dma_start3A_93 : memref<1x128xi32, #tpu.memory_space<vmem>> -> memref<128xi32, #tpu.memory_space<vmem>>
    %dma_start3A_95 = arith.constant 0 : i32
    %dma_start3A_96 = arith.constant 0 : i32
    %dma_start3A_97 = tpu.memref_slice %arg2[%dma_start3A_95, %dma_start3A_96] : memref<1000000x32xf32, #tpu.memory_space<hbm>> -> memref<1000000x32xf32, #tpu.memory_space<hbm>>
    tpu.enqueue_indirect_dma source(%dma_start3A_97 : memref<1000000x32xf32, #tpu.memory_space<hbm>>) target(%dma_start3A_91 : memref<128x32xf32, #tpu.memory_space<vmem>>) offsets(%dma_start3A_94 : memref<128xi32, #tpu.memory_space<vmem>>) semaphore(%arg8 : memref<!tpu.dma_semaphore, #tpu.memory_space<semaphore_mem>>)
    %dma_start3A_98 = arith.constant 8 : i32
    %dma_start3A_99 = arith.constant 1 : i32
    %dma_start3A_100 = arith.constant 384 : i32
    %dma_start3A_101 = arith.constant 0 : i32
    %dma_start3A_102 = tpu.memref_slice %arg6[%dma_start3A_99, %dma_start3A_100, %dma_start3A_101] : memref<4x640x32xf32, #tpu.memory_space<vmem>> -> memref<1x128x32xf32, #tpu.memory_space<vmem>>
    %dma_start3A_103 = tpu.memref_squeeze %dma_start3A_102 : memref<1x128x32xf32, #tpu.memory_space<vmem>> -> memref<128x32xf32, #tpu.memory_space<vmem>>
    %dma_start3A_104 = arith.constant 0 : i32
    %dma_start3A_105 = tpu.memref_slice %arg5[%dma_start3A_98, %dma_start3A_104] : memref<200x128xi32, #tpu.memory_space<vmem>> -> memref<1x128xi32, #tpu.memory_space<vmem>>
    %dma_start3A_106 = tpu.memref_squeeze %dma_start3A_105 : memref<1x128xi32, #tpu.memory_space<vmem>> -> memref<128xi32, #tpu.memory_space<vmem>>
    %dma_start3A_107 = arith.constant 0 : i32
    %dma_start3A_108 = arith.constant 0 : i32
    %dma_start3A_109 = tpu.memref_slice %arg2[%dma_start3A_107, %dma_start3A_108] : memref<1000000x32xf32, #tpu.memory_space<hbm>> -> memref<1000000x32xf32, #tpu.memory_space<hbm>>
    tpu.enqueue_indirect_dma source(%dma_start3A_109 : memref<1000000x32xf32, #tpu.memory_space<hbm>>) target(%dma_start3A_103 : memref<128x32xf32, #tpu.memory_space<vmem>>) offsets(%dma_start3A_106 : memref<128xi32, #tpu.memory_space<vmem>>) semaphore(%arg8 : memref<!tpu.dma_semaphore, #tpu.memory_space<semaphore_mem>>)
    %dma_start3A_110 = arith.constant 9 : i32
    %dma_start3A_111 = arith.constant 1 : i32
    %dma_start3A_112 = arith.constant 512 : i32
    %dma_start3A_113 = arith.constant 0 : i32
    %dma_start3A_114 = tpu.memref_slice %arg6[%dma_start3A_111, %dma_start3A_112, %dma_start3A_113] : memref<4x640x32xf32, #tpu.memory_space<vmem>> -> memref<1x128x32xf32, #tpu.memory_space<vmem>>
    %dma_start3A_115 = tpu.memref_squeeze %dma_start3A_114 : memref<1x128x32xf32, #tpu.memory_space<vmem>> -> memref<128x32xf32, #tpu.memory_space<vmem>>
    %dma_start3A_116 = arith.constant 0 : i32
    %dma_start3A_117 = tpu.memref_slice %arg5[%dma_start3A_110, %dma_start3A_116] : memref<200x128xi32, #tpu.memory_space<vmem>> -> memref<1x128xi32, #tpu.memory_space<vmem>>
    %dma_start3A_118 = tpu.memref_squeeze %dma_start3A_117 : memref<1x128xi32, #tpu.memory_space<vmem>> -> memref<128xi32, #tpu.memory_space<vmem>>
    %dma_start3A_119 = arith.constant 0 : i32
    %dma_start3A_120 = arith.constant 0 : i32
    %dma_start3A_121 = tpu.memref_slice %arg2[%dma_start3A_119, %dma_start3A_120] : memref<1000000x32xf32, #tpu.memory_space<hbm>> -> memref<1000000x32xf32, #tpu.memory_space<hbm>>
    tpu.enqueue_indirect_dma source(%dma_start3A_121 : memref<1000000x32xf32, #tpu.memory_space<hbm>>) target(%dma_start3A_115 : memref<128x32xf32, #tpu.memory_space<vmem>>) offsets(%dma_start3A_118 : memref<128xi32, #tpu.memory_space<vmem>>) semaphore(%arg8 : memref<!tpu.dma_semaphore, #tpu.memory_space<semaphore_mem>>)
    %dma_start3A_122 = arith.constant 10 : i32
    %dma_start3A_123 = arith.constant 2 : i32
    %dma_start3A_124 = arith.constant 0 : i32
    %dma_start3A_125 = arith.constant 0 : i32
    %dma_start3A_126 = tpu.memref_slice %arg6[%dma_start3A_123, %dma_start3A_124, %dma_start3A_125] : memref<4x640x32xf32, #tpu.memory_space<vmem>> -> memref<1x128x32xf32, #tpu.memory_space<vmem>>
    %dma_start3A_127 = tpu.memref_squeeze %dma_start3A_126 : memref<1x128x32xf32, #tpu.memory_space<vmem>> -> memref<128x32xf32, #tpu.memory_space<vmem>>
    %dma_start3A_128 = arith.constant 0 : i32
    %dma_start3A_129 = tpu.memref_slice %arg5[%dma_start3A_122, %dma_start3A_128] : memref<200x128xi32, #tpu.memory_space<vmem>> -> memref<1x128xi32, #tpu.memory_space<vmem>>
    %dma_start3A_130 = tpu.memref_squeeze %dma_start3A_129 : memref<1x128xi32, #tpu.memory_space<vmem>> -> memref<128xi32, #tpu.memory_space<vmem>>
    %dma_start3A_131 = arith.constant 0 : i32
    %dma_start3A_132 = arith.constant 0 : i32
    %dma_start3A_133 = tpu.memref_slice %arg2[%dma_start3A_131, %dma_start3A_132] : memref<1000000x32xf32, #tpu.memory_space<hbm>> -> memref<1000000x32xf32, #tpu.memory_space<hbm>>
    tpu.enqueue_indirect_dma source(%dma_start3A_133 : memref<1000000x32xf32, #tpu.memory_space<hbm>>) target(%dma_start3A_127 : memref<128x32xf32, #tpu.memory_space<vmem>>) offsets(%dma_start3A_130 : memref<128xi32, #tpu.memory_space<vmem>>) semaphore(%arg9 : memref<!tpu.dma_semaphore, #tpu.memory_space<semaphore_mem>>)
    %dma_start3A_134 = arith.constant 11 : i32
    %dma_start3A_135 = arith.constant 2 : i32
    %dma_start3A_136 = arith.constant 128 : i32
    %dma_start3A_137 = arith.constant 0 : i32
    %dma_start3A_138 = tpu.memref_slice %arg6[%dma_start3A_135, %dma_start3A_136, %dma_start3A_137] : memref<4x640x32xf32, #tpu.memory_space<vmem>> -> memref<1x128x32xf32, #tpu.memory_space<vmem>>
    %dma_start3A_139 = tpu.memref_squeeze %dma_start3A_138 : memref<1x128x32xf32, #tpu.memory_space<vmem>> -> memref<128x32xf32, #tpu.memory_space<vmem>>
    %dma_start3A_140 = arith.constant 0 : i32
    %dma_start3A_141 = tpu.memref_slice %arg5[%dma_start3A_134, %dma_start3A_140] : memref<200x128xi32, #tpu.memory_space<vmem>> -> memref<1x128xi32, #tpu.memory_space<vmem>>
    %dma_start3A_142 = tpu.memref_squeeze %dma_start3A_141 : memref<1x128xi32, #tpu.memory_space<vmem>> -> memref<128xi32, #tpu.memory_space<vmem>>
    %dma_start3A_143 = arith.constant 0 : i32
    %dma_start3A_144 = arith.constant 0 : i32
    %dma_start3A_145 = tpu.memref_slice %arg2[%dma_start3A_143, %dma_start3A_144] : memref<1000000x32xf32, #tpu.memory_space<hbm>> -> memref<1000000x32xf32, #tpu.memory_space<hbm>>
    tpu.enqueue_indirect_dma source(%dma_start3A_145 : memref<1000000x32xf32, #tpu.memory_space<hbm>>) target(%dma_start3A_139 : memref<128x32xf32, #tpu.memory_space<vmem>>) offsets(%dma_start3A_142 : memref<128xi32, #tpu.memory_space<vmem>>) semaphore(%arg9 : memref<!tpu.dma_semaphore, #tpu.memory_space<semaphore_mem>>)
    %dma_start3A_146 = arith.constant 12 : i32
    %dma_start3A_147 = arith.constant 2 : i32
    %dma_start3A_148 = arith.constant 256 : i32
    %dma_start3A_149 = arith.constant 0 : i32
    %dma_start3A_150 = tpu.memref_slice %arg6[%dma_start3A_147, %dma_start3A_148, %dma_start3A_149] : memref<4x640x32xf32, #tpu.memory_space<vmem>> -> memref<1x128x32xf32, #tpu.memory_space<vmem>>
    %dma_start3A_151 = tpu.memref_squeeze %dma_start3A_150 : memref<1x128x32xf32, #tpu.memory_space<vmem>> -> memref<128x32xf32, #tpu.memory_space<vmem>>
    %dma_start3A_152 = arith.constant 0 : i32
    %dma_start3A_153 = tpu.memref_slice %arg5[%dma_start3A_146, %dma_start3A_152] : memref<200x128xi32, #tpu.memory_space<vmem>> -> memref<1x128xi32, #tpu.memory_space<vmem>>
    %dma_start3A_154 = tpu.memref_squeeze %dma_start3A_153 : memref<1x128xi32, #tpu.memory_space<vmem>> -> memref<128xi32, #tpu.memory_space<vmem>>
    %dma_start3A_155 = arith.constant 0 : i32
    %dma_start3A_156 = arith.constant 0 : i32
    %dma_start3A_157 = tpu.memref_slice %arg2[%dma_start3A_155, %dma_start3A_156] : memref<1000000x32xf32, #tpu.memory_space<hbm>> -> memref<1000000x32xf32, #tpu.memory_space<hbm>>
    tpu.enqueue_indirect_dma source(%dma_start3A_157 : memref<1000000x32xf32, #tpu.memory_space<hbm>>) target(%dma_start3A_151 : memref<128x32xf32, #tpu.memory_space<vmem>>) offsets(%dma_start3A_154 : memref<128xi32, #tpu.memory_space<vmem>>) semaphore(%arg9 : memref<!tpu.dma_semaphore, #tpu.memory_space<semaphore_mem>>)
    %dma_start3A_158 = arith.constant 13 : i32
    %dma_start3A_159 = arith.constant 2 : i32
    %dma_start3A_160 = arith.constant 384 : i32
    %dma_start3A_161 = arith.constant 0 : i32
    %dma_start3A_162 = tpu.memref_slice %arg6[%dma_start3A_159, %dma_start3A_160, %dma_start3A_161] : memref<4x640x32xf32, #tpu.memory_space<vmem>> -> memref<1x128x32xf32, #tpu.memory_space<vmem>>
    %dma_start3A_163 = tpu.memref_squeeze %dma_start3A_162 : memref<1x128x32xf32, #tpu.memory_space<vmem>> -> memref<128x32xf32, #tpu.memory_space<vmem>>
    %dma_start3A_164 = arith.constant 0 : i32
    %dma_start3A_165 = tpu.memref_slice %arg5[%dma_start3A_158, %dma_start3A_164] : memref<200x128xi32, #tpu.memory_space<vmem>> -> memref<1x128xi32, #tpu.memory_space<vmem>>
    %dma_start3A_166 = tpu.memref_squeeze %dma_start3A_165 : memref<1x128xi32, #tpu.memory_space<vmem>> -> memref<128xi32, #tpu.memory_space<vmem>>
    %dma_start3A_167 = arith.constant 0 : i32
    %dma_start3A_168 = arith.constant 0 : i32
    %dma_start3A_169 = tpu.memref_slice %arg2[%dma_start3A_167, %dma_start3A_168] : memref<1000000x32xf32, #tpu.memory_space<hbm>> -> memref<1000000x32xf32, #tpu.memory_space<hbm>>
    tpu.enqueue_indirect_dma source(%dma_start3A_169 : memref<1000000x32xf32, #tpu.memory_space<hbm>>) target(%dma_start3A_163 : memref<128x32xf32, #tpu.memory_space<vmem>>) offsets(%dma_start3A_166 : memref<128xi32, #tpu.memory_space<vmem>>) semaphore(%arg9 : memref<!tpu.dma_semaphore, #tpu.memory_space<semaphore_mem>>)
    %dma_start3A_170 = arith.constant 14 : i32
    %dma_start3A_171 = arith.constant 2 : i32
    %dma_start3A_172 = arith.constant 512 : i32
    %dma_start3A_173 = arith.constant 0 : i32
    %dma_start3A_174 = tpu.memref_slice %arg6[%dma_start3A_171, %dma_start3A_172, %dma_start3A_173] : memref<4x640x32xf32, #tpu.memory_space<vmem>> -> memref<1x128x32xf32, #tpu.memory_space<vmem>>
    %dma_start3A_175 = tpu.memref_squeeze %dma_start3A_174 : memref<1x128x32xf32, #tpu.memory_space<vmem>> -> memref<128x32xf32, #tpu.memory_space<vmem>>
    %dma_start3A_176 = arith.constant 0 : i32
    %dma_start3A_177 = tpu.memref_slice %arg5[%dma_start3A_170, %dma_start3A_176] : memref<200x128xi32, #tpu.memory_space<vmem>> -> memref<1x128xi32, #tpu.memory_space<vmem>>
    %dma_start3A_178 = tpu.memref_squeeze %dma_start3A_177 : memref<1x128xi32, #tpu.memory_space<vmem>> -> memref<128xi32, #tpu.memory_space<vmem>>
    %dma_start3A_179 = arith.constant 0 : i32
    %dma_start3A_180 = arith.constant 0 : i32
    %dma_start3A_181 = tpu.memref_slice %arg2[%dma_start3A_179, %dma_start3A_180] : memref<1000000x32xf32, #tpu.memory_space<hbm>> -> memref<1000000x32xf32, #tpu.memory_space<hbm>>
    tpu.enqueue_indirect_dma source(%dma_start3A_181 : memref<1000000x32xf32, #tpu.memory_space<hbm>>) target(%dma_start3A_175 : memref<128x32xf32, #tpu.memory_space<vmem>>) offsets(%dma_start3A_178 : memref<128xi32, #tpu.memory_space<vmem>>) semaphore(%arg9 : memref<!tpu.dma_semaphore, #tpu.memory_space<semaphore_mem>>)
    %dma_start3A_182 = arith.constant 15 : i32
    %dma_start3A_183 = arith.constant 3 : i32
    %dma_start3A_184 = arith.constant 0 : i32
    %dma_start3A_185 = arith.constant 0 : i32
    %dma_start3A_186 = tpu.memref_slice %arg6[%dma_start3A_183, %dma_start3A_184, %dma_start3A_185] : memref<4x640x32xf32, #tpu.memory_space<vmem>> -> memref<1x128x32xf32, #tpu.memory_space<vmem>>
    %dma_start3A_187 = tpu.memref_squeeze %dma_start3A_186 : memref<1x128x32xf32, #tpu.memory_space<vmem>> -> memref<128x32xf32, #tpu.memory_space<vmem>>
    %dma_start3A_188 = arith.constant 0 : i32
    %dma_start3A_189 = tpu.memref_slice %arg5[%dma_start3A_182, %dma_start3A_188] : memref<200x128xi32, #tpu.memory_space<vmem>> -> memref<1x128xi32, #tpu.memory_space<vmem>>
    %dma_start3A_190 = tpu.memref_squeeze %dma_start3A_189 : memref<1x128xi32, #tpu.memory_space<vmem>> -> memref<128xi32, #tpu.memory_space<vmem>>
    %dma_start3A_191 = arith.constant 0 : i32
    %dma_start3A_192 = arith.constant 0 : i32
    %dma_start3A_193 = tpu.memref_slice %arg2[%dma_start3A_191, %dma_start3A_192] : memref<1000000x32xf32, #tpu.memory_space<hbm>> -> memref<1000000x32xf32, #tpu.memory_space<hbm>>
    tpu.enqueue_indirect_dma source(%dma_start3A_193 : memref<1000000x32xf32, #tpu.memory_space<hbm>>) target(%dma_start3A_187 : memref<128x32xf32, #tpu.memory_space<vmem>>) offsets(%dma_start3A_190 : memref<128xi32, #tpu.memory_space<vmem>>) semaphore(%arg10 : memref<!tpu.dma_semaphore, #tpu.memory_space<semaphore_mem>>)
    %dma_start3A_194 = arith.constant 16 : i32
    %dma_start3A_195 = arith.constant 3 : i32
    %dma_start3A_196 = arith.constant 128 : i32
    %dma_start3A_197 = arith.constant 0 : i32
    %dma_start3A_198 = tpu.memref_slice %arg6[%dma_start3A_195, %dma_start3A_196, %dma_start3A_197] : memref<4x640x32xf32, #tpu.memory_space<vmem>> -> memref<1x128x32xf32, #tpu.memory_space<vmem>>
    %dma_start3A_199 = tpu.memref_squeeze %dma_start3A_198 : memref<1x128x32xf32, #tpu.memory_space<vmem>> -> memref<128x32xf32, #tpu.memory_space<vmem>>
    %dma_start3A_200 = arith.constant 0 : i32
    %dma_start3A_201 = tpu.memref_slice %arg5[%dma_start3A_194, %dma_start3A_200] : memref<200x128xi32, #tpu.memory_space<vmem>> -> memref<1x128xi32, #tpu.memory_space<vmem>>
    %dma_start3A_202 = tpu.memref_squeeze %dma_start3A_201 : memref<1x128xi32, #tpu.memory_space<vmem>> -> memref<128xi32, #tpu.memory_space<vmem>>
    %dma_start3A_203 = arith.constant 0 : i32
    %dma_start3A_204 = arith.constant 0 : i32
    %dma_start3A_205 = tpu.memref_slice %arg2[%dma_start3A_203, %dma_start3A_204] : memref<1000000x32xf32, #tpu.memory_space<hbm>> -> memref<1000000x32xf32, #tpu.memory_space<hbm>>
    tpu.enqueue_indirect_dma source(%dma_start3A_205 : memref<1000000x32xf32, #tpu.memory_space<hbm>>) target(%dma_start3A_199 : memref<128x32xf32, #tpu.memory_space<vmem>>) offsets(%dma_start3A_202 : memref<128xi32, #tpu.memory_space<vmem>>) semaphore(%arg10 : memref<!tpu.dma_semaphore, #tpu.memory_space<semaphore_mem>>)
    %dma_start3A_206 = arith.constant 17 : i32
    %dma_start3A_207 = arith.constant 3 : i32
    %dma_start3A_208 = arith.constant 256 : i32
    %dma_start3A_209 = arith.constant 0 : i32
    %dma_start3A_210 = tpu.memref_slice %arg6[%dma_start3A_207, %dma_start3A_208, %dma_start3A_209] : memref<4x640x32xf32, #tpu.memory_space<vmem>> -> memref<1x128x32xf32, #tpu.memory_space<vmem>>
    %dma_start3A_211 = tpu.memref_squeeze %dma_start3A_210 : memref<1x128x32xf32, #tpu.memory_space<vmem>> -> memref<128x32xf32, #tpu.memory_space<vmem>>
    %dma_start3A_212 = arith.constant 0 : i32
    %dma_start3A_213 = tpu.memref_slice %arg5[%dma_start3A_206, %dma_start3A_212] : memref<200x128xi32, #tpu.memory_space<vmem>> -> memref<1x128xi32, #tpu.memory_space<vmem>>
    %dma_start3A_214 = tpu.memref_squeeze %dma_start3A_213 : memref<1x128xi32, #tpu.memory_space<vmem>> -> memref<128xi32, #tpu.memory_space<vmem>>
    %dma_start3A_215 = arith.constant 0 : i32
    %dma_start3A_216 = arith.constant 0 : i32
    %dma_start3A_217 = tpu.memref_slice %arg2[%dma_start3A_215, %dma_start3A_216] : memref<1000000x32xf32, #tpu.memory_space<hbm>> -> memref<1000000x32xf32, #tpu.memory_space<hbm>>
    tpu.enqueue_indirect_dma source(%dma_start3A_217 : memref<1000000x32xf32, #tpu.memory_space<hbm>>) target(%dma_start3A_211 : memref<128x32xf32, #tpu.memory_space<vmem>>) offsets(%dma_start3A_214 : memref<128xi32, #tpu.memory_space<vmem>>) semaphore(%arg10 : memref<!tpu.dma_semaphore, #tpu.memory_space<semaphore_mem>>)
    %dma_start3A_218 = arith.constant 18 : i32
    %dma_start3A_219 = arith.constant 3 : i32
    %dma_start3A_220 = arith.constant 384 : i32
    %dma_start3A_221 = arith.constant 0 : i32
    %dma_start3A_222 = tpu.memref_slice %arg6[%dma_start3A_219, %dma_start3A_220, %dma_start3A_221] : memref<4x640x32xf32, #tpu.memory_space<vmem>> -> memref<1x128x32xf32, #tpu.memory_space<vmem>>
    %dma_start3A_223 = tpu.memref_squeeze %dma_start3A_222 : memref<1x128x32xf32, #tpu.memory_space<vmem>> -> memref<128x32xf32, #tpu.memory_space<vmem>>
    %dma_start3A_224 = arith.constant 0 : i32
    %dma_start3A_225 = tpu.memref_slice %arg5[%dma_start3A_218, %dma_start3A_224] : memref<200x128xi32, #tpu.memory_space<vmem>> -> memref<1x128xi32, #tpu.memory_space<vmem>>
    %dma_start3A_226 = tpu.memref_squeeze %dma_start3A_225 : memref<1x128xi32, #tpu.memory_space<vmem>> -> memref<128xi32, #tpu.memory_space<vmem>>
    %dma_start3A_227 = arith.constant 0 : i32
    %dma_start3A_228 = arith.constant 0 : i32
    %dma_start3A_229 = tpu.memref_slice %arg2[%dma_start3A_227, %dma_start3A_228] : memref<1000000x32xf32, #tpu.memory_space<hbm>> -> memref<1000000x32xf32, #tpu.memory_space<hbm>>
    tpu.enqueue_indirect_dma source(%dma_start3A_229 : memref<1000000x32xf32, #tpu.memory_space<hbm>>) target(%dma_start3A_223 : memref<128x32xf32, #tpu.memory_space<vmem>>) offsets(%dma_start3A_226 : memref<128xi32, #tpu.memory_space<vmem>>) semaphore(%arg10 : memref<!tpu.dma_semaphore, #tpu.memory_space<semaphore_mem>>)
    %dma_start3A_230 = arith.constant 19 : i32
    %dma_start3A_231 = arith.constant 3 : i32
    %dma_start3A_232 = arith.constant 512 : i32
    %dma_start3A_233 = arith.constant 0 : i32
    %dma_start3A_234 = tpu.memref_slice %arg6[%dma_start3A_231, %dma_start3A_232, %dma_start3A_233] : memref<4x640x32xf32, #tpu.memory_space<vmem>> -> memref<1x128x32xf32, #tpu.memory_space<vmem>>
    %dma_start3A_235 = tpu.memref_squeeze %dma_start3A_234 : memref<1x128x32xf32, #tpu.memory_space<vmem>> -> memref<128x32xf32, #tpu.memory_space<vmem>>
    %dma_start3A_236 = arith.constant 0 : i32
    %dma_start3A_237 = tpu.memref_slice %arg5[%dma_start3A_230, %dma_start3A_236] : memref<200x128xi32, #tpu.memory_space<vmem>> -> memref<1x128xi32, #tpu.memory_space<vmem>>
    %dma_start3A_238 = tpu.memref_squeeze %dma_start3A_237 : memref<1x128xi32, #tpu.memory_space<vmem>> -> memref<128xi32, #tpu.memory_space<vmem>>
    %dma_start3A_239 = arith.constant 0 : i32
    %dma_start3A_240 = arith.constant 0 : i32
    %dma_start3A_241 = tpu.memref_slice %arg2[%dma_start3A_239, %dma_start3A_240] : memref<1000000x32xf32, #tpu.memory_space<hbm>> -> memref<1000000x32xf32, #tpu.memory_space<hbm>>
    tpu.enqueue_indirect_dma source(%dma_start3A_241 : memref<1000000x32xf32, #tpu.memory_space<hbm>>) target(%dma_start3A_235 : memref<128x32xf32, #tpu.memory_space<vmem>>) offsets(%dma_start3A_238 : memref<128xi32, #tpu.memory_space<vmem>>) semaphore(%arg10 : memref<!tpu.dma_semaphore, #tpu.memory_space<semaphore_mem>>)
    %scan3A = arith.constant 0 : i32
    %scan3A_242 = arith.constant 0 : i32
    %scan3A_243 = arith.constant 9 : i32
    %scan3A_244 = arith.addi %scan3A_242, %scan3A_243 : i32
    %scan3A_245 = arith.constant 1 : i32
    scf.for %scan3A_426 = %scan3A_242 to %scan3A_244 step %scan3A_245  : i32 {
      %mul3A_427 = arith.constant 4 : i32
      %mul3A_428 = arith.muli %scan3A_426, %mul3A_427 : i32
      %dma_wait3A_429 = arith.constant 0 : i32
      %dma_wait3A_430 = arith.constant 0 : i32
      %dma_wait3A_431 = arith.constant 0 : i32
      %dma_wait3A_432 = tpu.memref_slice %arg6[%dma_wait3A_429, %dma_wait3A_430, %dma_wait3A_431] : memref<4x640x32xf32, #tpu.memory_space<vmem>> -> memref<1x640x32xf32, #tpu.memory_space<vmem>>
      %dma_wait3A_433 = tpu.memref_squeeze %dma_wait3A_432 : memref<1x640x32xf32, #tpu.memory_space<vmem>> -> memref<640x32xf32, #tpu.memory_space<vmem>>
      %dma_wait3A_434 = arith.constant 0 : i32
      %dma_wait3A_435 = arith.constant 0 : i32
      %dma_wait3A_436 = tpu.memref_slice %arg2[%dma_wait3A_434, %dma_wait3A_435] : memref<1000000x32xf32, #tpu.memory_space<hbm>> -> memref<640x32xf32, #tpu.memory_space<hbm>>
      %dma_wait3A_437 = arith.constant 0 : i32
      %dma_wait3A_438 = arith.constant 0 : i32
      %dma_wait3A_439 = tpu.memref_slice %arg6[%dma_wait3A_429, %dma_wait3A_437, %dma_wait3A_438] : memref<4x640x32xf32, #tpu.memory_space<vmem>> -> memref<1x640x32xf32, #tpu.memory_space<vmem>>
      %dma_wait3A_440 = tpu.memref_squeeze %dma_wait3A_439 : memref<1x640x32xf32, #tpu.memory_space<vmem>> -> memref<640x32xf32, #tpu.memory_space<vmem>>
      %dma_wait3A_441 = arith.constant 0 : i32
      %dma_wait3A_442 = arith.constant 0 : i32
      %dma_wait3A_443 = tpu.memref_slice %arg2[%dma_wait3A_441, %dma_wait3A_442] : memref<1000000x32xf32, #tpu.memory_space<hbm>> -> memref<640x32xf32, #tpu.memory_space<hbm>>
      tpu.wait_dma2 semaphore(%arg7 : memref<!tpu.dma_semaphore, #tpu.memory_space<semaphore_mem>>) src(%dma_wait3A_443 : memref<640x32xf32, #tpu.memory_space<hbm>>) dst(%dma_wait3A_440 : memref<640x32xf32, #tpu.memory_space<vmem>>)
      %add3A_444 = arith.constant 0 : i32
      %add3A_445 = arith.addi %mul3A_428, %add3A_444 : i32
      %mul3A_446 = arith.constant 640 : i32
      %mul3A_447 = arith.muli %add3A_445, %mul3A_446 : i32
      %add3A_448 = arith.addi %mul3A_2, %mul3A_447 : i32
      %dma_start3A_449 = arith.constant 0 : i32
      %dma_start3A_450 = arith.constant 0 : i32
      %dma_start3A_451 = arith.constant 0 : i32
      %dma_start3A_452 = tpu.memref_slice %arg6[%dma_start3A_449, %dma_start3A_450, %dma_start3A_451] : memref<4x640x32xf32, #tpu.memory_space<vmem>> -> memref<1x640x32xf32, #tpu.memory_space<vmem>>
      %dma_start3A_453 = tpu.memref_squeeze %dma_start3A_452 : memref<1x640x32xf32, #tpu.memory_space<vmem>> -> memref<640x32xf32, #tpu.memory_space<vmem>>
      %dma_start3A_454 = arith.constant 0 : i32
      %dma_start3A_455 = tpu.memref_slice %arg4[%add3A_448, %dma_start3A_454] : memref<819200x32xf32, #tpu.memory_space<hbm>> -> memref<640x32xf32, #tpu.memory_space<hbm>>
      %dma_start3A_456 = arith.constant 0 : i32
      %dma_start3A_457 = tpu.memref_slice %arg4[%add3A_448, %dma_start3A_456] : memref<819200x32xf32, #tpu.memory_space<hbm>> -> memref<640x32xf32, #tpu.memory_space<hbm>>
      %dma_start3A_458 = arith.constant 0 : i32
      %dma_start3A_459 = arith.constant 0 : i32
      %dma_start3A_460 = tpu.memref_slice %arg6[%dma_start3A_449, %dma_start3A_458, %dma_start3A_459] : memref<4x640x32xf32, #tpu.memory_space<vmem>> -> memref<1x640x32xf32, #tpu.memory_space<vmem>>
      %dma_start3A_461 = tpu.memref_squeeze %dma_start3A_460 : memref<1x640x32xf32, #tpu.memory_space<vmem>> -> memref<640x32xf32, #tpu.memory_space<vmem>>
      tpu.enqueue_dma source(%dma_start3A_461 : memref<640x32xf32, #tpu.memory_space<vmem>>) target(%dma_start3A_457 : memref<640x32xf32, #tpu.memory_space<hbm>>) target_semaphore(%arg11 : memref<!tpu.dma_semaphore, #tpu.memory_space<semaphore_mem>>)
      %dma_wait3A_462 = arith.constant 1 : i32
      %dma_wait3A_463 = arith.constant 0 : i32
      %dma_wait3A_464 = arith.constant 0 : i32
      %dma_wait3A_465 = tpu.memref_slice %arg6[%dma_wait3A_462, %dma_wait3A_463, %dma_wait3A_464] : memref<4x640x32xf32, #tpu.memory_space<vmem>> -> memref<1x640x32xf32, #tpu.memory_space<vmem>>
      %dma_wait3A_466 = tpu.memref_squeeze %dma_wait3A_465 : memref<1x640x32xf32, #tpu.memory_space<vmem>> -> memref<640x32xf32, #tpu.memory_space<vmem>>
      %dma_wait3A_467 = arith.constant 0 : i32
      %dma_wait3A_468 = arith.constant 0 : i32
      %dma_wait3A_469 = tpu.memref_slice %arg2[%dma_wait3A_467, %dma_wait3A_468] : memref<1000000x32xf32, #tpu.memory_space<hbm>> -> memref<640x32xf32, #tpu.memory_space<hbm>>
      %dma_wait3A_470 = arith.constant 0 : i32
      %dma_wait3A_471 = arith.constant 0 : i32
      %dma_wait3A_472 = tpu.memref_slice %arg6[%dma_wait3A_462, %dma_wait3A_470, %dma_wait3A_471] : memref<4x640x32xf32, #tpu.memory_space<vmem>> -> memref<1x640x32xf32, #tpu.memory_space<vmem>>
      %dma_wait3A_473 = tpu.memref_squeeze %dma_wait3A_472 : memref<1x640x32xf32, #tpu.memory_space<vmem>> -> memref<640x32xf32, #tpu.memory_space<vmem>>
      %dma_wait3A_474 = arith.constant 0 : i32
      %dma_wait3A_475 = arith.constant 0 : i32
      %dma_wait3A_476 = tpu.memref_slice %arg2[%dma_wait3A_474, %dma_wait3A_475] : memref<1000000x32xf32, #tpu.memory_space<hbm>> -> memref<640x32xf32, #tpu.memory_space<hbm>>
      tpu.wait_dma2 semaphore(%arg8 : memref<!tpu.dma_semaphore, #tpu.memory_space<semaphore_mem>>) src(%dma_wait3A_476 : memref<640x32xf32, #tpu.memory_space<hbm>>) dst(%dma_wait3A_473 : memref<640x32xf32, #tpu.memory_space<vmem>>)
      %add3A_477 = arith.constant 1 : i32
      %add3A_478 = arith.addi %mul3A_428, %add3A_477 : i32
      %mul3A_479 = arith.constant 640 : i32
      %mul3A_480 = arith.muli %add3A_478, %mul3A_479 : i32
      %add3A_481 = arith.addi %mul3A_2, %mul3A_480 : i32
      %dma_start3A_482 = arith.constant 1 : i32
      %dma_start3A_483 = arith.constant 0 : i32
      %dma_start3A_484 = arith.constant 0 : i32
      %dma_start3A_485 = tpu.memref_slice %arg6[%dma_start3A_482, %dma_start3A_483, %dma_start3A_484] : memref<4x640x32xf32, #tpu.memory_space<vmem>> -> memref<1x640x32xf32, #tpu.memory_space<vmem>>
      %dma_start3A_486 = tpu.memref_squeeze %dma_start3A_485 : memref<1x640x32xf32, #tpu.memory_space<vmem>> -> memref<640x32xf32, #tpu.memory_space<vmem>>
      %dma_start3A_487 = arith.constant 0 : i32
      %dma_start3A_488 = tpu.memref_slice %arg4[%add3A_481, %dma_start3A_487] : memref<819200x32xf32, #tpu.memory_space<hbm>> -> memref<640x32xf32, #tpu.memory_space<hbm>>
      %dma_start3A_489 = arith.constant 0 : i32
      %dma_start3A_490 = tpu.memref_slice %arg4[%add3A_481, %dma_start3A_489] : memref<819200x32xf32, #tpu.memory_space<hbm>> -> memref<640x32xf32, #tpu.memory_space<hbm>>
      %dma_start3A_491 = arith.constant 0 : i32
      %dma_start3A_492 = arith.constant 0 : i32
      %dma_start3A_493 = tpu.memref_slice %arg6[%dma_start3A_482, %dma_start3A_491, %dma_start3A_492] : memref<4x640x32xf32, #tpu.memory_space<vmem>> -> memref<1x640x32xf32, #tpu.memory_space<vmem>>
      %dma_start3A_494 = tpu.memref_squeeze %dma_start3A_493 : memref<1x640x32xf32, #tpu.memory_space<vmem>> -> memref<640x32xf32, #tpu.memory_space<vmem>>
      tpu.enqueue_dma source(%dma_start3A_494 : memref<640x32xf32, #tpu.memory_space<vmem>>) target(%dma_start3A_490 : memref<640x32xf32, #tpu.memory_space<hbm>>) target_semaphore(%arg12 : memref<!tpu.dma_semaphore, #tpu.memory_space<semaphore_mem>>)
      %dma_wait3A_495 = arith.constant 2 : i32
      %dma_wait3A_496 = arith.constant 0 : i32
      %dma_wait3A_497 = arith.constant 0 : i32
      %dma_wait3A_498 = tpu.memref_slice %arg6[%dma_wait3A_495, %dma_wait3A_496, %dma_wait3A_497] : memref<4x640x32xf32, #tpu.memory_space<vmem>> -> memref<1x640x32xf32, #tpu.memory_space<vmem>>
      %dma_wait3A_499 = tpu.memref_squeeze %dma_wait3A_498 : memref<1x640x32xf32, #tpu.memory_space<vmem>> -> memref<640x32xf32, #tpu.memory_space<vmem>>
      %dma_wait3A_500 = arith.constant 0 : i32
      %dma_wait3A_501 = arith.constant 0 : i32
      %dma_wait3A_502 = tpu.memref_slice %arg2[%dma_wait3A_500, %dma_wait3A_501] : memref<1000000x32xf32, #tpu.memory_space<hbm>> -> memref<640x32xf32, #tpu.memory_space<hbm>>
      %dma_wait3A_503 = arith.constant 0 : i32
      %dma_wait3A_504 = arith.constant 0 : i32
      %dma_wait3A_505 = tpu.memref_slice %arg6[%dma_wait3A_495, %dma_wait3A_503, %dma_wait3A_504] : memref<4x640x32xf32, #tpu.memory_space<vmem>> -> memref<1x640x32xf32, #tpu.memory_space<vmem>>
      %dma_wait3A_506 = tpu.memref_squeeze %dma_wait3A_505 : memref<1x640x32xf32, #tpu.memory_space<vmem>> -> memref<640x32xf32, #tpu.memory_space<vmem>>
      %dma_wait3A_507 = arith.constant 0 : i32
      %dma_wait3A_508 = arith.constant 0 : i32
      %dma_wait3A_509 = tpu.memref_slice %arg2[%dma_wait3A_507, %dma_wait3A_508] : memref<1000000x32xf32, #tpu.memory_space<hbm>> -> memref<640x32xf32, #tpu.memory_space<hbm>>
      tpu.wait_dma2 semaphore(%arg9 : memref<!tpu.dma_semaphore, #tpu.memory_space<semaphore_mem>>) src(%dma_wait3A_509 : memref<640x32xf32, #tpu.memory_space<hbm>>) dst(%dma_wait3A_506 : memref<640x32xf32, #tpu.memory_space<vmem>>)
      %add3A_510 = arith.constant 2 : i32
      %add3A_511 = arith.addi %mul3A_428, %add3A_510 : i32
      %mul3A_512 = arith.constant 640 : i32
      %mul3A_513 = arith.muli %add3A_511, %mul3A_512 : i32
      %add3A_514 = arith.addi %mul3A_2, %mul3A_513 : i32
      %dma_start3A_515 = arith.constant 2 : i32
      %dma_start3A_516 = arith.constant 0 : i32
      %dma_start3A_517 = arith.constant 0 : i32
      %dma_start3A_518 = tpu.memref_slice %arg6[%dma_start3A_515, %dma_start3A_516, %dma_start3A_517] : memref<4x640x32xf32, #tpu.memory_space<vmem>> -> memref<1x640x32xf32, #tpu.memory_space<vmem>>
      %dma_start3A_519 = tpu.memref_squeeze %dma_start3A_518 : memref<1x640x32xf32, #tpu.memory_space<vmem>> -> memref<640x32xf32, #tpu.memory_space<vmem>>
      %dma_start3A_520 = arith.constant 0 : i32
      %dma_start3A_521 = tpu.memref_slice %arg4[%add3A_514, %dma_start3A_520] : memref<819200x32xf32, #tpu.memory_space<hbm>> -> memref<640x32xf32, #tpu.memory_space<hbm>>
      %dma_start3A_522 = arith.constant 0 : i32
      %dma_start3A_523 = tpu.memref_slice %arg4[%add3A_514, %dma_start3A_522] : memref<819200x32xf32, #tpu.memory_space<hbm>> -> memref<640x32xf32, #tpu.memory_space<hbm>>
      %dma_start3A_524 = arith.constant 0 : i32
      %dma_start3A_525 = arith.constant 0 : i32
      %dma_start3A_526 = tpu.memref_slice %arg6[%dma_start3A_515, %dma_start3A_524, %dma_start3A_525] : memref<4x640x32xf32, #tpu.memory_space<vmem>> -> memref<1x640x32xf32, #tpu.memory_space<vmem>>
      %dma_start3A_527 = tpu.memref_squeeze %dma_start3A_526 : memref<1x640x32xf32, #tpu.memory_space<vmem>> -> memref<640x32xf32, #tpu.memory_space<vmem>>
      tpu.enqueue_dma source(%dma_start3A_527 : memref<640x32xf32, #tpu.memory_space<vmem>>) target(%dma_start3A_523 : memref<640x32xf32, #tpu.memory_space<hbm>>) target_semaphore(%arg13 : memref<!tpu.dma_semaphore, #tpu.memory_space<semaphore_mem>>)
      %dma_wait3A_528 = arith.constant 3 : i32
      %dma_wait3A_529 = arith.constant 0 : i32
      %dma_wait3A_530 = arith.constant 0 : i32
      %dma_wait3A_531 = tpu.memref_slice %arg6[%dma_wait3A_528, %dma_wait3A_529, %dma_wait3A_530] : memref<4x640x32xf32, #tpu.memory_space<vmem>> -> memref<1x640x32xf32, #tpu.memory_space<vmem>>
      %dma_wait3A_532 = tpu.memref_squeeze %dma_wait3A_531 : memref<1x640x32xf32, #tpu.memory_space<vmem>> -> memref<640x32xf32, #tpu.memory_space<vmem>>
      %dma_wait3A_533 = arith.constant 0 : i32
      %dma_wait3A_534 = arith.constant 0 : i32
      %dma_wait3A_535 = tpu.memref_slice %arg2[%dma_wait3A_533, %dma_wait3A_534] : memref<1000000x32xf32, #tpu.memory_space<hbm>> -> memref<640x32xf32, #tpu.memory_space<hbm>>
      %dma_wait3A_536 = arith.constant 0 : i32
      %dma_wait3A_537 = arith.constant 0 : i32
      %dma_wait3A_538 = tpu.memref_slice %arg6[%dma_wait3A_528, %dma_wait3A_536, %dma_wait3A_537] : memref<4x640x32xf32, #tpu.memory_space<vmem>> -> memref<1x640x32xf32, #tpu.memory_space<vmem>>
      %dma_wait3A_539 = tpu.memref_squeeze %dma_wait3A_538 : memref<1x640x32xf32, #tpu.memory_space<vmem>> -> memref<640x32xf32, #tpu.memory_space<vmem>>
      %dma_wait3A_540 = arith.constant 0 : i32
      %dma_wait3A_541 = arith.constant 0 : i32
      %dma_wait3A_542 = tpu.memref_slice %arg2[%dma_wait3A_540, %dma_wait3A_541] : memref<1000000x32xf32, #tpu.memory_space<hbm>> -> memref<640x32xf32, #tpu.memory_space<hbm>>
      tpu.wait_dma2 semaphore(%arg10 : memref<!tpu.dma_semaphore, #tpu.memory_space<semaphore_mem>>) src(%dma_wait3A_542 : memref<640x32xf32, #tpu.memory_space<hbm>>) dst(%dma_wait3A_539 : memref<640x32xf32, #tpu.memory_space<vmem>>)
      %add3A_543 = arith.constant 3 : i32
      %add3A_544 = arith.addi %mul3A_428, %add3A_543 : i32
      %mul3A_545 = arith.constant 640 : i32
      %mul3A_546 = arith.muli %add3A_544, %mul3A_545 : i32
      %add3A_547 = arith.addi %mul3A_2, %mul3A_546 : i32
      %dma_start3A_548 = arith.constant 3 : i32
      %dma_start3A_549 = arith.constant 0 : i32
      %dma_start3A_550 = arith.constant 0 : i32
      %dma_start3A_551 = tpu.memref_slice %arg6[%dma_start3A_548, %dma_start3A_549, %dma_start3A_550] : memref<4x640x32xf32, #tpu.memory_space<vmem>> -> memref<1x640x32xf32, #tpu.memory_space<vmem>>
      %dma_start3A_552 = tpu.memref_squeeze %dma_start3A_551 : memref<1x640x32xf32, #tpu.memory_space<vmem>> -> memref<640x32xf32, #tpu.memory_space<vmem>>
      %dma_start3A_553 = arith.constant 0 : i32
      %dma_start3A_554 = tpu.memref_slice %arg4[%add3A_547, %dma_start3A_553] : memref<819200x32xf32, #tpu.memory_space<hbm>> -> memref<640x32xf32, #tpu.memory_space<hbm>>
      %dma_start3A_555 = arith.constant 0 : i32
      %dma_start3A_556 = tpu.memref_slice %arg4[%add3A_547, %dma_start3A_555] : memref<819200x32xf32, #tpu.memory_space<hbm>> -> memref<640x32xf32, #tpu.memory_space<hbm>>
      %dma_start3A_557 = arith.constant 0 : i32
      %dma_start3A_558 = arith.constant 0 : i32
      %dma_start3A_559 = tpu.memref_slice %arg6[%dma_start3A_548, %dma_start3A_557, %dma_start3A_558] : memref<4x640x32xf32, #tpu.memory_space<vmem>> -> memref<1x640x32xf32, #tpu.memory_space<vmem>>
      %dma_start3A_560 = tpu.memref_squeeze %dma_start3A_559 : memref<1x640x32xf32, #tpu.memory_space<vmem>> -> memref<640x32xf32, #tpu.memory_space<vmem>>
      tpu.enqueue_dma source(%dma_start3A_560 : memref<640x32xf32, #tpu.memory_space<vmem>>) target(%dma_start3A_556 : memref<640x32xf32, #tpu.memory_space<hbm>>) target_semaphore(%arg14 : memref<!tpu.dma_semaphore, #tpu.memory_space<semaphore_mem>>)
      %add3A_561 = arith.constant 0 : i32
      %add3A_562 = arith.addi %mul3A_428, %add3A_561 : i32
      %mul3A_563 = arith.constant 640 : i32
      %mul3A_564 = arith.muli %add3A_562, %mul3A_563 : i32
      %add3A_565 = arith.addi %mul3A_2, %mul3A_564 : i32
      %dma_wait3A_566 = arith.constant 0 : i32
      %dma_wait3A_567 = arith.constant 0 : i32
      %dma_wait3A_568 = arith.constant 0 : i32
      %dma_wait3A_569 = tpu.memref_slice %arg6[%dma_wait3A_566, %dma_wait3A_567, %dma_wait3A_568] : memref<4x640x32xf32, #tpu.memory_space<vmem>> -> memref<1x640x32xf32, #tpu.memory_space<vmem>>
      %dma_wait3A_570 = tpu.memref_squeeze %dma_wait3A_569 : memref<1x640x32xf32, #tpu.memory_space<vmem>> -> memref<640x32xf32, #tpu.memory_space<vmem>>
      %dma_wait3A_571 = arith.constant 0 : i32
      %dma_wait3A_572 = tpu.memref_slice %arg4[%add3A_565, %dma_wait3A_571] : memref<819200x32xf32, #tpu.memory_space<hbm>> -> memref<640x32xf32, #tpu.memory_space<hbm>>
      %dma_wait3A_573 = arith.constant 0 : i32
      %dma_wait3A_574 = tpu.memref_slice %arg4[%add3A_565, %dma_wait3A_573] : memref<819200x32xf32, #tpu.memory_space<hbm>> -> memref<640x32xf32, #tpu.memory_space<hbm>>
      %dma_wait3A_575 = arith.constant 0 : i32
      %dma_wait3A_576 = arith.constant 0 : i32
      %dma_wait3A_577 = tpu.memref_slice %arg6[%dma_wait3A_566, %dma_wait3A_575, %dma_wait3A_576] : memref<4x640x32xf32, #tpu.memory_space<vmem>> -> memref<1x640x32xf32, #tpu.memory_space<vmem>>
      %dma_wait3A_578 = tpu.memref_squeeze %dma_wait3A_577 : memref<1x640x32xf32, #tpu.memory_space<vmem>> -> memref<640x32xf32, #tpu.memory_space<vmem>>
      tpu.wait_dma2 semaphore(%arg11 : memref<!tpu.dma_semaphore, #tpu.memory_space<semaphore_mem>>) src(%dma_wait3A_578 : memref<640x32xf32, #tpu.memory_space<vmem>>) dst(%dma_wait3A_574 : memref<640x32xf32, #tpu.memory_space<hbm>>)
      %add3A_579 = arith.constant 4 : i32
      %add3A_580 = arith.addi %mul3A_428, %add3A_579 : i32
      %add3A_581 = arith.constant 0 : i32
      %add3A_582 = arith.addi %add3A_580, %add3A_581 : i32
      %mul3A_583 = arith.constant 5 : i32
      %mul3A_584 = arith.muli %add3A_582, %mul3A_583 : i32
      %add3A_585 = arith.constant 0 : i32
      %add3A_586 = arith.addi %mul3A_584, %add3A_585 : i32
      %dma_start3A_587 = arith.constant 0 : i32
      %dma_start3A_588 = arith.constant 0 : i32
      %dma_start3A_589 = arith.constant 0 : i32
      %dma_start3A_590 = tpu.memref_slice %arg6[%dma_start3A_587, %dma_start3A_588, %dma_start3A_589] : memref<4x640x32xf32, #tpu.memory_space<vmem>> -> memref<1x128x32xf32, #tpu.memory_space<vmem>>
      %dma_start3A_591 = tpu.memref_squeeze %dma_start3A_590 : memref<1x128x32xf32, #tpu.memory_space<vmem>> -> memref<128x32xf32, #tpu.memory_space<vmem>>
      %dma_start3A_592 = arith.constant 0 : i32
      %dma_start3A_593 = tpu.memref_slice %arg5[%add3A_586, %dma_start3A_592] : memref<200x128xi32, #tpu.memory_space<vmem>> -> memref<1x128xi32, #tpu.memory_space<vmem>>
      %dma_start3A_594 = tpu.memref_squeeze %dma_start3A_593 : memref<1x128xi32, #tpu.memory_space<vmem>> -> memref<128xi32, #tpu.memory_space<vmem>>
      %dma_start3A_595 = arith.constant 0 : i32
      %dma_start3A_596 = arith.constant 0 : i32
      %dma_start3A_597 = tpu.memref_slice %arg2[%dma_start3A_595, %dma_start3A_596] : memref<1000000x32xf32, #tpu.memory_space<hbm>> -> memref<1000000x32xf32, #tpu.memory_space<hbm>>
      tpu.enqueue_indirect_dma source(%dma_start3A_597 : memref<1000000x32xf32, #tpu.memory_space<hbm>>) target(%dma_start3A_591 : memref<128x32xf32, #tpu.memory_space<vmem>>) offsets(%dma_start3A_594 : memref<128xi32, #tpu.memory_space<vmem>>) semaphore(%arg7 : memref<!tpu.dma_semaphore, #tpu.memory_space<semaphore_mem>>)
      %mul3A_598 = arith.constant 5 : i32
      %mul3A_599 = arith.muli %add3A_582, %mul3A_598 : i32
      %add3A_600 = arith.constant 1 : i32
      %add3A_601 = arith.addi %mul3A_599, %add3A_600 : i32
      %dma_start3A_602 = arith.constant 0 : i32
      %dma_start3A_603 = arith.constant 128 : i32
      %dma_start3A_604 = arith.constant 0 : i32
      %dma_start3A_605 = tpu.memref_slice %arg6[%dma_start3A_602, %dma_start3A_603, %dma_start3A_604] : memref<4x640x32xf32, #tpu.memory_space<vmem>> -> memref<1x128x32xf32, #tpu.memory_space<vmem>>
      %dma_start3A_606 = tpu.memref_squeeze %dma_start3A_605 : memref<1x128x32xf32, #tpu.memory_space<vmem>> -> memref<128x32xf32, #tpu.memory_space<vmem>>
      %dma_start3A_607 = arith.constant 0 : i32
      %dma_start3A_608 = tpu.memref_slice %arg5[%add3A_601, %dma_start3A_607] : memref<200x128xi32, #tpu.memory_space<vmem>> -> memref<1x128xi32, #tpu.memory_space<vmem>>
      %dma_start3A_609 = tpu.memref_squeeze %dma_start3A_608 : memref<1x128xi32, #tpu.memory_space<vmem>> -> memref<128xi32, #tpu.memory_space<vmem>>
      %dma_start3A_610 = arith.constant 0 : i32
      %dma_start3A_611 = arith.constant 0 : i32
      %dma_start3A_612 = tpu.memref_slice %arg2[%dma_start3A_610, %dma_start3A_611] : memref<1000000x32xf32, #tpu.memory_space<hbm>> -> memref<1000000x32xf32, #tpu.memory_space<hbm>>
      tpu.enqueue_indirect_dma source(%dma_start3A_612 : memref<1000000x32xf32, #tpu.memory_space<hbm>>) target(%dma_start3A_606 : memref<128x32xf32, #tpu.memory_space<vmem>>) offsets(%dma_start3A_609 : memref<128xi32, #tpu.memory_space<vmem>>) semaphore(%arg7 : memref<!tpu.dma_semaphore, #tpu.memory_space<semaphore_mem>>)
      %mul3A_613 = arith.constant 5 : i32
      %mul3A_614 = arith.muli %add3A_582, %mul3A_613 : i32
      %add3A_615 = arith.constant 2 : i32
      %add3A_616 = arith.addi %mul3A_614, %add3A_615 : i32
      %dma_start3A_617 = arith.constant 0 : i32
      %dma_start3A_618 = arith.constant 256 : i32
      %dma_start3A_619 = arith.constant 0 : i32
      %dma_start3A_620 = tpu.memref_slice %arg6[%dma_start3A_617, %dma_start3A_618, %dma_start3A_619] : memref<4x640x32xf32, #tpu.memory_space<vmem>> -> memref<1x128x32xf32, #tpu.memory_space<vmem>>
      %dma_start3A_621 = tpu.memref_squeeze %dma_start3A_620 : memref<1x128x32xf32, #tpu.memory_space<vmem>> -> memref<128x32xf32, #tpu.memory_space<vmem>>
      %dma_start3A_622 = arith.constant 0 : i32
      %dma_start3A_623 = tpu.memref_slice %arg5[%add3A_616, %dma_start3A_622] : memref<200x128xi32, #tpu.memory_space<vmem>> -> memref<1x128xi32, #tpu.memory_space<vmem>>
      %dma_start3A_624 = tpu.memref_squeeze %dma_start3A_623 : memref<1x128xi32, #tpu.memory_space<vmem>> -> memref<128xi32, #tpu.memory_space<vmem>>
      %dma_start3A_625 = arith.constant 0 : i32
      %dma_start3A_626 = arith.constant 0 : i32
      %dma_start3A_627 = tpu.memref_slice %arg2[%dma_start3A_625, %dma_start3A_626] : memref<1000000x32xf32, #tpu.memory_space<hbm>> -> memref<1000000x32xf32, #tpu.memory_space<hbm>>
      tpu.enqueue_indirect_dma source(%dma_start3A_627 : memref<1000000x32xf32, #tpu.memory_space<hbm>>) target(%dma_start3A_621 : memref<128x32xf32, #tpu.memory_space<vmem>>) offsets(%dma_start3A_624 : memref<128xi32, #tpu.memory_space<vmem>>) semaphore(%arg7 : memref<!tpu.dma_semaphore, #tpu.memory_space<semaphore_mem>>)
      %mul3A_628 = arith.constant 5 : i32
      %mul3A_629 = arith.muli %add3A_582, %mul3A_628 : i32
      %add3A_630 = arith.constant 3 : i32
      %add3A_631 = arith.addi %mul3A_629, %add3A_630 : i32
      %dma_start3A_632 = arith.constant 0 : i32
      %dma_start3A_633 = arith.constant 384 : i32
      %dma_start3A_634 = arith.constant 0 : i32
      %dma_start3A_635 = tpu.memref_slice %arg6[%dma_start3A_632, %dma_start3A_633, %dma_start3A_634] : memref<4x640x32xf32, #tpu.memory_space<vmem>> -> memref<1x128x32xf32, #tpu.memory_space<vmem>>
      %dma_start3A_636 = tpu.memref_squeeze %dma_start3A_635 : memref<1x128x32xf32, #tpu.memory_space<vmem>> -> memref<128x32xf32, #tpu.memory_space<vmem>>
      %dma_start3A_637 = arith.constant 0 : i32
      %dma_start3A_638 = tpu.memref_slice %arg5[%add3A_631, %dma_start3A_637] : memref<200x128xi32, #tpu.memory_space<vmem>> -> memref<1x128xi32, #tpu.memory_space<vmem>>
      %dma_start3A_639 = tpu.memref_squeeze %dma_start3A_638 : memref<1x128xi32, #tpu.memory_space<vmem>> -> memref<128xi32, #tpu.memory_space<vmem>>
      %dma_start3A_640 = arith.constant 0 : i32
      %dma_start3A_641 = arith.constant 0 : i32
      %dma_start3A_642 = tpu.memref_slice %arg2[%dma_start3A_640, %dma_start3A_641] : memref<1000000x32xf32, #tpu.memory_space<hbm>> -> memref<1000000x32xf32, #tpu.memory_space<hbm>>
      tpu.enqueue_indirect_dma source(%dma_start3A_642 : memref<1000000x32xf32, #tpu.memory_space<hbm>>) target(%dma_start3A_636 : memref<128x32xf32, #tpu.memory_space<vmem>>) offsets(%dma_start3A_639 : memref<128xi32, #tpu.memory_space<vmem>>) semaphore(%arg7 : memref<!tpu.dma_semaphore, #tpu.memory_space<semaphore_mem>>)
      %mul3A_643 = arith.constant 5 : i32
      %mul3A_644 = arith.muli %add3A_582, %mul3A_643 : i32
      %add3A_645 = arith.constant 4 : i32
      %add3A_646 = arith.addi %mul3A_644, %add3A_645 : i32
      %dma_start3A_647 = arith.constant 0 : i32
      %dma_start3A_648 = arith.constant 512 : i32
      %dma_start3A_649 = arith.constant 0 : i32
      %dma_start3A_650 = tpu.memref_slice %arg6[%dma_start3A_647, %dma_start3A_648, %dma_start3A_649] : memref<4x640x32xf32, #tpu.memory_space<vmem>> -> memref<1x128x32xf32, #tpu.memory_space<vmem>>
      %dma_start3A_651 = tpu.memref_squeeze %dma_start3A_650 : memref<1x128x32xf32, #tpu.memory_space<vmem>> -> memref<128x32xf32, #tpu.memory_space<vmem>>
      %dma_start3A_652 = arith.constant 0 : i32
      %dma_start3A_653 = tpu.memref_slice %arg5[%add3A_646, %dma_start3A_652] : memref<200x128xi32, #tpu.memory_space<vmem>> -> memref<1x128xi32, #tpu.memory_space<vmem>>
      %dma_start3A_654 = tpu.memref_squeeze %dma_start3A_653 : memref<1x128xi32, #tpu.memory_space<vmem>> -> memref<128xi32, #tpu.memory_space<vmem>>
      %dma_start3A_655 = arith.constant 0 : i32
      %dma_start3A_656 = arith.constant 0 : i32
      %dma_start3A_657 = tpu.memref_slice %arg2[%dma_start3A_655, %dma_start3A_656] : memref<1000000x32xf32, #tpu.memory_space<hbm>> -> memref<1000000x32xf32, #tpu.memory_space<hbm>>
      tpu.enqueue_indirect_dma source(%dma_start3A_657 : memref<1000000x32xf32, #tpu.memory_space<hbm>>) target(%dma_start3A_651 : memref<128x32xf32, #tpu.memory_space<vmem>>) offsets(%dma_start3A_654 : memref<128xi32, #tpu.memory_space<vmem>>) semaphore(%arg7 : memref<!tpu.dma_semaphore, #tpu.memory_space<semaphore_mem>>)
      %add3A_658 = arith.constant 1 : i32
      %add3A_659 = arith.addi %mul3A_428, %add3A_658 : i32
      %mul3A_660 = arith.constant 640 : i32
      %mul3A_661 = arith.muli %add3A_659, %mul3A_660 : i32
      %add3A_662 = arith.addi %mul3A_2, %mul3A_661 : i32
      %dma_wait3A_663 = arith.constant 1 : i32
      %dma_wait3A_664 = arith.constant 0 : i32
      %dma_wait3A_665 = arith.constant 0 : i32
      %dma_wait3A_666 = tpu.memref_slice %arg6[%dma_wait3A_663, %dma_wait3A_664, %dma_wait3A_665] : memref<4x640x32xf32, #tpu.memory_space<vmem>> -> memref<1x640x32xf32, #tpu.memory_space<vmem>>
      %dma_wait3A_667 = tpu.memref_squeeze %dma_wait3A_666 : memref<1x640x32xf32, #tpu.memory_space<vmem>> -> memref<640x32xf32, #tpu.memory_space<vmem>>
      %dma_wait3A_668 = arith.constant 0 : i32
      %dma_wait3A_669 = tpu.memref_slice %arg4[%add3A_662, %dma_wait3A_668] : memref<819200x32xf32, #tpu.memory_space<hbm>> -> memref<640x32xf32, #tpu.memory_space<hbm>>
      %dma_wait3A_670 = arith.constant 0 : i32
      %dma_wait3A_671 = tpu.memref_slice %arg4[%add3A_662, %dma_wait3A_670] : memref<819200x32xf32, #tpu.memory_space<hbm>> -> memref<640x32xf32, #tpu.memory_space<hbm>>
      %dma_wait3A_672 = arith.constant 0 : i32
      %dma_wait3A_673 = arith.constant 0 : i32
      %dma_wait3A_674 = tpu.memref_slice %arg6[%dma_wait3A_663, %dma_wait3A_672, %dma_wait3A_673] : memref<4x640x32xf32, #tpu.memory_space<vmem>> -> memref<1x640x32xf32, #tpu.memory_space<vmem>>
      %dma_wait3A_675 = tpu.memref_squeeze %dma_wait3A_674 : memref<1x640x32xf32, #tpu.memory_space<vmem>> -> memref<640x32xf32, #tpu.memory_space<vmem>>
      tpu.wait_dma2 semaphore(%arg12 : memref<!tpu.dma_semaphore, #tpu.memory_space<semaphore_mem>>) src(%dma_wait3A_675 : memref<640x32xf32, #tpu.memory_space<vmem>>) dst(%dma_wait3A_671 : memref<640x32xf32, #tpu.memory_space<hbm>>)
      %add3A_676 = arith.constant 4 : i32
      %add3A_677 = arith.addi %mul3A_428, %add3A_676 : i32
      %add3A_678 = arith.constant 1 : i32
      %add3A_679 = arith.addi %add3A_677, %add3A_678 : i32
      %mul3A_680 = arith.constant 5 : i32
      %mul3A_681 = arith.muli %add3A_679, %mul3A_680 : i32
      %add3A_682 = arith.constant 0 : i32
      %add3A_683 = arith.addi %mul3A_681, %add3A_682 : i32
      %dma_start3A_684 = arith.constant 1 : i32
      %dma_start3A_685 = arith.constant 0 : i32
      %dma_start3A_686 = arith.constant 0 : i32
      %dma_start3A_687 = tpu.memref_slice %arg6[%dma_start3A_684, %dma_start3A_685, %dma_start3A_686] : memref<4x640x32xf32, #tpu.memory_space<vmem>> -> memref<1x128x32xf32, #tpu.memory_space<vmem>>
      %dma_start3A_688 = tpu.memref_squeeze %dma_start3A_687 : memref<1x128x32xf32, #tpu.memory_space<vmem>> -> memref<128x32xf32, #tpu.memory_space<vmem>>
      %dma_start3A_689 = arith.constant 0 : i32
      %dma_start3A_690 = tpu.memref_slice %arg5[%add3A_683, %dma_start3A_689] : memref<200x128xi32, #tpu.memory_space<vmem>> -> memref<1x128xi32, #tpu.memory_space<vmem>>
      %dma_start3A_691 = tpu.memref_squeeze %dma_start3A_690 : memref<1x128xi32, #tpu.memory_space<vmem>> -> memref<128xi32, #tpu.memory_space<vmem>>
      %dma_start3A_692 = arith.constant 0 : i32
      %dma_start3A_693 = arith.constant 0 : i32
      %dma_start3A_694 = tpu.memref_slice %arg2[%dma_start3A_692, %dma_start3A_693] : memref<1000000x32xf32, #tpu.memory_space<hbm>> -> memref<1000000x32xf32, #tpu.memory_space<hbm>>
      tpu.enqueue_indirect_dma source(%dma_start3A_694 : memref<1000000x32xf32, #tpu.memory_space<hbm>>) target(%dma_start3A_688 : memref<128x32xf32, #tpu.memory_space<vmem>>) offsets(%dma_start3A_691 : memref<128xi32, #tpu.memory_space<vmem>>) semaphore(%arg8 : memref<!tpu.dma_semaphore, #tpu.memory_space<semaphore_mem>>)
      %mul3A_695 = arith.constant 5 : i32
      %mul3A_696 = arith.muli %add3A_679, %mul3A_695 : i32
      %add3A_697 = arith.constant 1 : i32
      %add3A_698 = arith.addi %mul3A_696, %add3A_697 : i32
      %dma_start3A_699 = arith.constant 1 : i32
      %dma_start3A_700 = arith.constant 128 : i32
      %dma_start3A_701 = arith.constant 0 : i32
      %dma_start3A_702 = tpu.memref_slice %arg6[%dma_start3A_699, %dma_start3A_700, %dma_start3A_701] : memref<4x640x32xf32, #tpu.memory_space<vmem>> -> memref<1x128x32xf32, #tpu.memory_space<vmem>>
      %dma_start3A_703 = tpu.memref_squeeze %dma_start3A_702 : memref<1x128x32xf32, #tpu.memory_space<vmem>> -> memref<128x32xf32, #tpu.memory_space<vmem>>
      %dma_start3A_704 = arith.constant 0 : i32
      %dma_start3A_705 = tpu.memref_slice %arg5[%add3A_698, %dma_start3A_704] : memref<200x128xi32, #tpu.memory_space<vmem>> -> memref<1x128xi32, #tpu.memory_space<vmem>>
      %dma_start3A_706 = tpu.memref_squeeze %dma_start3A_705 : memref<1x128xi32, #tpu.memory_space<vmem>> -> memref<128xi32, #tpu.memory_space<vmem>>
      %dma_start3A_707 = arith.constant 0 : i32
      %dma_start3A_708 = arith.constant 0 : i32
      %dma_start3A_709 = tpu.memref_slice %arg2[%dma_start3A_707, %dma_start3A_708] : memref<1000000x32xf32, #tpu.memory_space<hbm>> -> memref<1000000x32xf32, #tpu.memory_space<hbm>>
      tpu.enqueue_indirect_dma source(%dma_start3A_709 : memref<1000000x32xf32, #tpu.memory_space<hbm>>) target(%dma_start3A_703 : memref<128x32xf32, #tpu.memory_space<vmem>>) offsets(%dma_start3A_706 : memref<128xi32, #tpu.memory_space<vmem>>) semaphore(%arg8 : memref<!tpu.dma_semaphore, #tpu.memory_space<semaphore_mem>>)
      %mul3A_710 = arith.constant 5 : i32
      %mul3A_711 = arith.muli %add3A_679, %mul3A_710 : i32
      %add3A_712 = arith.constant 2 : i32
      %add3A_713 = arith.addi %mul3A_711, %add3A_712 : i32
      %dma_start3A_714 = arith.constant 1 : i32
      %dma_start3A_715 = arith.constant 256 : i32
      %dma_start3A_716 = arith.constant 0 : i32
      %dma_start3A_717 = tpu.memref_slice %arg6[%dma_start3A_714, %dma_start3A_715, %dma_start3A_716] : memref<4x640x32xf32, #tpu.memory_space<vmem>> -> memref<1x128x32xf32, #tpu.memory_space<vmem>>
      %dma_start3A_718 = tpu.memref_squeeze %dma_start3A_717 : memref<1x128x32xf32, #tpu.memory_space<vmem>> -> memref<128x32xf32, #tpu.memory_space<vmem>>
      %dma_start3A_719 = arith.constant 0 : i32
      %dma_start3A_720 = tpu.memref_slice %arg5[%add3A_713, %dma_start3A_719] : memref<200x128xi32, #tpu.memory_space<vmem>> -> memref<1x128xi32, #tpu.memory_space<vmem>>
      %dma_start3A_721 = tpu.memref_squeeze %dma_start3A_720 : memref<1x128xi32, #tpu.memory_space<vmem>> -> memref<128xi32, #tpu.memory_space<vmem>>
      %dma_start3A_722 = arith.constant 0 : i32
      %dma_start3A_723 = arith.constant 0 : i32
      %dma_start3A_724 = tpu.memref_slice %arg2[%dma_start3A_722, %dma_start3A_723] : memref<1000000x32xf32, #tpu.memory_space<hbm>> -> memref<1000000x32xf32, #tpu.memory_space<hbm>>
      tpu.enqueue_indirect_dma source(%dma_start3A_724 : memref<1000000x32xf32, #tpu.memory_space<hbm>>) target(%dma_start3A_718 : memref<128x32xf32, #tpu.memory_space<vmem>>) offsets(%dma_start3A_721 : memref<128xi32, #tpu.memory_space<vmem>>) semaphore(%arg8 : memref<!tpu.dma_semaphore, #tpu.memory_space<semaphore_mem>>)
      %mul3A_725 = arith.constant 5 : i32
      %mul3A_726 = arith.muli %add3A_679, %mul3A_725 : i32
      %add3A_727 = arith.constant 3 : i32
      %add3A_728 = arith.addi %mul3A_726, %add3A_727 : i32
      %dma_start3A_729 = arith.constant 1 : i32
      %dma_start3A_730 = arith.constant 384 : i32
      %dma_start3A_731 = arith.constant 0 : i32
      %dma_start3A_732 = tpu.memref_slice %arg6[%dma_start3A_729, %dma_start3A_730, %dma_start3A_731] : memref<4x640x32xf32, #tpu.memory_space<vmem>> -> memref<1x128x32xf32, #tpu.memory_space<vmem>>
      %dma_start3A_733 = tpu.memref_squeeze %dma_start3A_732 : memref<1x128x32xf32, #tpu.memory_space<vmem>> -> memref<128x32xf32, #tpu.memory_space<vmem>>
      %dma_start3A_734 = arith.constant 0 : i32
      %dma_start3A_735 = tpu.memref_slice %arg5[%add3A_728, %dma_start3A_734] : memref<200x128xi32, #tpu.memory_space<vmem>> -> memref<1x128xi32, #tpu.memory_space<vmem>>
      %dma_start3A_736 = tpu.memref_squeeze %dma_start3A_735 : memref<1x128xi32, #tpu.memory_space<vmem>> -> memref<128xi32, #tpu.memory_space<vmem>>
      %dma_start3A_737 = arith.constant 0 : i32
      %dma_start3A_738 = arith.constant 0 : i32
      %dma_start3A_739 = tpu.memref_slice %arg2[%dma_start3A_737, %dma_start3A_738] : memref<1000000x32xf32, #tpu.memory_space<hbm>> -> memref<1000000x32xf32, #tpu.memory_space<hbm>>
      tpu.enqueue_indirect_dma source(%dma_start3A_739 : memref<1000000x32xf32, #tpu.memory_space<hbm>>) target(%dma_start3A_733 : memref<128x32xf32, #tpu.memory_space<vmem>>) offsets(%dma_start3A_736 : memref<128xi32, #tpu.memory_space<vmem>>) semaphore(%arg8 : memref<!tpu.dma_semaphore, #tpu.memory_space<semaphore_mem>>)
      %mul3A_740 = arith.constant 5 : i32
      %mul3A_741 = arith.muli %add3A_679, %mul3A_740 : i32
      %add3A_742 = arith.constant 4 : i32
      %add3A_743 = arith.addi %mul3A_741, %add3A_742 : i32
      %dma_start3A_744 = arith.constant 1 : i32
      %dma_start3A_745 = arith.constant 512 : i32
      %dma_start3A_746 = arith.constant 0 : i32
      %dma_start3A_747 = tpu.memref_slice %arg6[%dma_start3A_744, %dma_start3A_745, %dma_start3A_746] : memref<4x640x32xf32, #tpu.memory_space<vmem>> -> memref<1x128x32xf32, #tpu.memory_space<vmem>>
      %dma_start3A_748 = tpu.memref_squeeze %dma_start3A_747 : memref<1x128x32xf32, #tpu.memory_space<vmem>> -> memref<128x32xf32, #tpu.memory_space<vmem>>
      %dma_start3A_749 = arith.constant 0 : i32
      %dma_start3A_750 = tpu.memref_slice %arg5[%add3A_743, %dma_start3A_749] : memref<200x128xi32, #tpu.memory_space<vmem>> -> memref<1x128xi32, #tpu.memory_space<vmem>>
      %dma_start3A_751 = tpu.memref_squeeze %dma_start3A_750 : memref<1x128xi32, #tpu.memory_space<vmem>> -> memref<128xi32, #tpu.memory_space<vmem>>
      %dma_start3A_752 = arith.constant 0 : i32
      %dma_start3A_753 = arith.constant 0 : i32
      %dma_start3A_754 = tpu.memref_slice %arg2[%dma_start3A_752, %dma_start3A_753] : memref<1000000x32xf32, #tpu.memory_space<hbm>> -> memref<1000000x32xf32, #tpu.memory_space<hbm>>
      tpu.enqueue_indirect_dma source(%dma_start3A_754 : memref<1000000x32xf32, #tpu.memory_space<hbm>>) target(%dma_start3A_748 : memref<128x32xf32, #tpu.memory_space<vmem>>) offsets(%dma_start3A_751 : memref<128xi32, #tpu.memory_space<vmem>>) semaphore(%arg8 : memref<!tpu.dma_semaphore, #tpu.memory_space<semaphore_mem>>)
      %add3A_755 = arith.constant 2 : i32
      %add3A_756 = arith.addi %mul3A_428, %add3A_755 : i32
      %mul3A_757 = arith.constant 640 : i32
      %mul3A_758 = arith.muli %add3A_756, %mul3A_757 : i32
      %add3A_759 = arith.addi %mul3A_2, %mul3A_758 : i32
      %dma_wait3A_760 = arith.constant 2 : i32
      %dma_wait3A_761 = arith.constant 0 : i32
      %dma_wait3A_762 = arith.constant 0 : i32
      %dma_wait3A_763 = tpu.memref_slice %arg6[%dma_wait3A_760, %dma_wait3A_761, %dma_wait3A_762] : memref<4x640x32xf32, #tpu.memory_space<vmem>> -> memref<1x640x32xf32, #tpu.memory_space<vmem>>
      %dma_wait3A_764 = tpu.memref_squeeze %dma_wait3A_763 : memref<1x640x32xf32, #tpu.memory_space<vmem>> -> memref<640x32xf32, #tpu.memory_space<vmem>>
      %dma_wait3A_765 = arith.constant 0 : i32
      %dma_wait3A_766 = tpu.memref_slice %arg4[%add3A_759, %dma_wait3A_765] : memref<819200x32xf32, #tpu.memory_space<hbm>> -> memref<640x32xf32, #tpu.memory_space<hbm>>
      %dma_wait3A_767 = arith.constant 0 : i32
      %dma_wait3A_768 = tpu.memref_slice %arg4[%add3A_759, %dma_wait3A_767] : memref<819200x32xf32, #tpu.memory_space<hbm>> -> memref<640x32xf32, #tpu.memory_space<hbm>>
      %dma_wait3A_769 = arith.constant 0 : i32
      %dma_wait3A_770 = arith.constant 0 : i32
      %dma_wait3A_771 = tpu.memref_slice %arg6[%dma_wait3A_760, %dma_wait3A_769, %dma_wait3A_770] : memref<4x640x32xf32, #tpu.memory_space<vmem>> -> memref<1x640x32xf32, #tpu.memory_space<vmem>>
      %dma_wait3A_772 = tpu.memref_squeeze %dma_wait3A_771 : memref<1x640x32xf32, #tpu.memory_space<vmem>> -> memref<640x32xf32, #tpu.memory_space<vmem>>
      tpu.wait_dma2 semaphore(%arg13 : memref<!tpu.dma_semaphore, #tpu.memory_space<semaphore_mem>>) src(%dma_wait3A_772 : memref<640x32xf32, #tpu.memory_space<vmem>>) dst(%dma_wait3A_768 : memref<640x32xf32, #tpu.memory_space<hbm>>)
      %add3A_773 = arith.constant 4 : i32
      %add3A_774 = arith.addi %mul3A_428, %add3A_773 : i32
      %add3A_775 = arith.constant 2 : i32
      %add3A_776 = arith.addi %add3A_774, %add3A_775 : i32
      %mul3A_777 = arith.constant 5 : i32
      %mul3A_778 = arith.muli %add3A_776, %mul3A_777 : i32
      %add3A_779 = arith.constant 0 : i32
      %add3A_780 = arith.addi %mul3A_778, %add3A_779 : i32
      %dma_start3A_781 = arith.constant 2 : i32
      %dma_start3A_782 = arith.constant 0 : i32
      %dma_start3A_783 = arith.constant 0 : i32
      %dma_start3A_784 = tpu.memref_slice %arg6[%dma_start3A_781, %dma_start3A_782, %dma_start3A_783] : memref<4x640x32xf32, #tpu.memory_space<vmem>> -> memref<1x128x32xf32, #tpu.memory_space<vmem>>
      %dma_start3A_785 = tpu.memref_squeeze %dma_start3A_784 : memref<1x128x32xf32, #tpu.memory_space<vmem>> -> memref<128x32xf32, #tpu.memory_space<vmem>>
      %dma_start3A_786 = arith.constant 0 : i32
      %dma_start3A_787 = tpu.memref_slice %arg5[%add3A_780, %dma_start3A_786] : memref<200x128xi32, #tpu.memory_space<vmem>> -> memref<1x128xi32, #tpu.memory_space<vmem>>
      %dma_start3A_788 = tpu.memref_squeeze %dma_start3A_787 : memref<1x128xi32, #tpu.memory_space<vmem>> -> memref<128xi32, #tpu.memory_space<vmem>>
      %dma_start3A_789 = arith.constant 0 : i32
      %dma_start3A_790 = arith.constant 0 : i32
      %dma_start3A_791 = tpu.memref_slice %arg2[%dma_start3A_789, %dma_start3A_790] : memref<1000000x32xf32, #tpu.memory_space<hbm>> -> memref<1000000x32xf32, #tpu.memory_space<hbm>>
      tpu.enqueue_indirect_dma source(%dma_start3A_791 : memref<1000000x32xf32, #tpu.memory_space<hbm>>) target(%dma_start3A_785 : memref<128x32xf32, #tpu.memory_space<vmem>>) offsets(%dma_start3A_788 : memref<128xi32, #tpu.memory_space<vmem>>) semaphore(%arg9 : memref<!tpu.dma_semaphore, #tpu.memory_space<semaphore_mem>>)
      %mul3A_792 = arith.constant 5 : i32
      %mul3A_793 = arith.muli %add3A_776, %mul3A_792 : i32
      %add3A_794 = arith.constant 1 : i32
      %add3A_795 = arith.addi %mul3A_793, %add3A_794 : i32
      %dma_start3A_796 = arith.constant 2 : i32
      %dma_start3A_797 = arith.constant 128 : i32
      %dma_start3A_798 = arith.constant 0 : i32
      %dma_start3A_799 = tpu.memref_slice %arg6[%dma_start3A_796, %dma_start3A_797, %dma_start3A_798] : memref<4x640x32xf32, #tpu.memory_space<vmem>> -> memref<1x128x32xf32, #tpu.memory_space<vmem>>
      %dma_start3A_800 = tpu.memref_squeeze %dma_start3A_799 : memref<1x128x32xf32, #tpu.memory_space<vmem>> -> memref<128x32xf32, #tpu.memory_space<vmem>>
      %dma_start3A_801 = arith.constant 0 : i32
      %dma_start3A_802 = tpu.memref_slice %arg5[%add3A_795, %dma_start3A_801] : memref<200x128xi32, #tpu.memory_space<vmem>> -> memref<1x128xi32, #tpu.memory_space<vmem>>
      %dma_start3A_803 = tpu.memref_squeeze %dma_start3A_802 : memref<1x128xi32, #tpu.memory_space<vmem>> -> memref<128xi32, #tpu.memory_space<vmem>>
      %dma_start3A_804 = arith.constant 0 : i32
      %dma_start3A_805 = arith.constant 0 : i32
      %dma_start3A_806 = tpu.memref_slice %arg2[%dma_start3A_804, %dma_start3A_805] : memref<1000000x32xf32, #tpu.memory_space<hbm>> -> memref<1000000x32xf32, #tpu.memory_space<hbm>>
      tpu.enqueue_indirect_dma source(%dma_start3A_806 : memref<1000000x32xf32, #tpu.memory_space<hbm>>) target(%dma_start3A_800 : memref<128x32xf32, #tpu.memory_space<vmem>>) offsets(%dma_start3A_803 : memref<128xi32, #tpu.memory_space<vmem>>) semaphore(%arg9 : memref<!tpu.dma_semaphore, #tpu.memory_space<semaphore_mem>>)
      %mul3A_807 = arith.constant 5 : i32
      %mul3A_808 = arith.muli %add3A_776, %mul3A_807 : i32
      %add3A_809 = arith.constant 2 : i32
      %add3A_810 = arith.addi %mul3A_808, %add3A_809 : i32
      %dma_start3A_811 = arith.constant 2 : i32
      %dma_start3A_812 = arith.constant 256 : i32
      %dma_start3A_813 = arith.constant 0 : i32
      %dma_start3A_814 = tpu.memref_slice %arg6[%dma_start3A_811, %dma_start3A_812, %dma_start3A_813] : memref<4x640x32xf32, #tpu.memory_space<vmem>> -> memref<1x128x32xf32, #tpu.memory_space<vmem>>
      %dma_start3A_815 = tpu.memref_squeeze %dma_start3A_814 : memref<1x128x32xf32, #tpu.memory_space<vmem>> -> memref<128x32xf32, #tpu.memory_space<vmem>>
      %dma_start3A_816 = arith.constant 0 : i32
      %dma_start3A_817 = tpu.memref_slice %arg5[%add3A_810, %dma_start3A_816] : memref<200x128xi32, #tpu.memory_space<vmem>> -> memref<1x128xi32, #tpu.memory_space<vmem>>
      %dma_start3A_818 = tpu.memref_squeeze %dma_start3A_817 : memref<1x128xi32, #tpu.memory_space<vmem>> -> memref<128xi32, #tpu.memory_space<vmem>>
      %dma_start3A_819 = arith.constant 0 : i32
      %dma_start3A_820 = arith.constant 0 : i32
      %dma_start3A_821 = tpu.memref_slice %arg2[%dma_start3A_819, %dma_start3A_820] : memref<1000000x32xf32, #tpu.memory_space<hbm>> -> memref<1000000x32xf32, #tpu.memory_space<hbm>>
      tpu.enqueue_indirect_dma source(%dma_start3A_821 : memref<1000000x32xf32, #tpu.memory_space<hbm>>) target(%dma_start3A_815 : memref<128x32xf32, #tpu.memory_space<vmem>>) offsets(%dma_start3A_818 : memref<128xi32, #tpu.memory_space<vmem>>) semaphore(%arg9 : memref<!tpu.dma_semaphore, #tpu.memory_space<semaphore_mem>>)
      %mul3A_822 = arith.constant 5 : i32
      %mul3A_823 = arith.muli %add3A_776, %mul3A_822 : i32
      %add3A_824 = arith.constant 3 : i32
      %add3A_825 = arith.addi %mul3A_823, %add3A_824 : i32
      %dma_start3A_826 = arith.constant 2 : i32
      %dma_start3A_827 = arith.constant 384 : i32
      %dma_start3A_828 = arith.constant 0 : i32
      %dma_start3A_829 = tpu.memref_slice %arg6[%dma_start3A_826, %dma_start3A_827, %dma_start3A_828] : memref<4x640x32xf32, #tpu.memory_space<vmem>> -> memref<1x128x32xf32, #tpu.memory_space<vmem>>
      %dma_start3A_830 = tpu.memref_squeeze %dma_start3A_829 : memref<1x128x32xf32, #tpu.memory_space<vmem>> -> memref<128x32xf32, #tpu.memory_space<vmem>>
      %dma_start3A_831 = arith.constant 0 : i32
      %dma_start3A_832 = tpu.memref_slice %arg5[%add3A_825, %dma_start3A_831] : memref<200x128xi32, #tpu.memory_space<vmem>> -> memref<1x128xi32, #tpu.memory_space<vmem>>
      %dma_start3A_833 = tpu.memref_squeeze %dma_start3A_832 : memref<1x128xi32, #tpu.memory_space<vmem>> -> memref<128xi32, #tpu.memory_space<vmem>>
      %dma_start3A_834 = arith.constant 0 : i32
      %dma_start3A_835 = arith.constant 0 : i32
      %dma_start3A_836 = tpu.memref_slice %arg2[%dma_start3A_834, %dma_start3A_835] : memref<1000000x32xf32, #tpu.memory_space<hbm>> -> memref<1000000x32xf32, #tpu.memory_space<hbm>>
      tpu.enqueue_indirect_dma source(%dma_start3A_836 : memref<1000000x32xf32, #tpu.memory_space<hbm>>) target(%dma_start3A_830 : memref<128x32xf32, #tpu.memory_space<vmem>>) offsets(%dma_start3A_833 : memref<128xi32, #tpu.memory_space<vmem>>) semaphore(%arg9 : memref<!tpu.dma_semaphore, #tpu.memory_space<semaphore_mem>>)
      %mul3A_837 = arith.constant 5 : i32
      %mul3A_838 = arith.muli %add3A_776, %mul3A_837 : i32
      %add3A_839 = arith.constant 4 : i32
      %add3A_840 = arith.addi %mul3A_838, %add3A_839 : i32
      %dma_start3A_841 = arith.constant 2 : i32
      %dma_start3A_842 = arith.constant 512 : i32
      %dma_start3A_843 = arith.constant 0 : i32
      %dma_start3A_844 = tpu.memref_slice %arg6[%dma_start3A_841, %dma_start3A_842, %dma_start3A_843] : memref<4x640x32xf32, #tpu.memory_space<vmem>> -> memref<1x128x32xf32, #tpu.memory_space<vmem>>
      %dma_start3A_845 = tpu.memref_squeeze %dma_start3A_844 : memref<1x128x32xf32, #tpu.memory_space<vmem>> -> memref<128x32xf32, #tpu.memory_space<vmem>>
      %dma_start3A_846 = arith.constant 0 : i32
      %dma_start3A_847 = tpu.memref_slice %arg5[%add3A_840, %dma_start3A_846] : memref<200x128xi32, #tpu.memory_space<vmem>> -> memref<1x128xi32, #tpu.memory_space<vmem>>
      %dma_start3A_848 = tpu.memref_squeeze %dma_start3A_847 : memref<1x128xi32, #tpu.memory_space<vmem>> -> memref<128xi32, #tpu.memory_space<vmem>>
      %dma_start3A_849 = arith.constant 0 : i32
      %dma_start3A_850 = arith.constant 0 : i32
      %dma_start3A_851 = tpu.memref_slice %arg2[%dma_start3A_849, %dma_start3A_850] : memref<1000000x32xf32, #tpu.memory_space<hbm>> -> memref<1000000x32xf32, #tpu.memory_space<hbm>>
      tpu.enqueue_indirect_dma source(%dma_start3A_851 : memref<1000000x32xf32, #tpu.memory_space<hbm>>) target(%dma_start3A_845 : memref<128x32xf32, #tpu.memory_space<vmem>>) offsets(%dma_start3A_848 : memref<128xi32, #tpu.memory_space<vmem>>) semaphore(%arg9 : memref<!tpu.dma_semaphore, #tpu.memory_space<semaphore_mem>>)
      %add3A_852 = arith.constant 3 : i32
      %add3A_853 = arith.addi %mul3A_428, %add3A_852 : i32
      %mul3A_854 = arith.constant 640 : i32
      %mul3A_855 = arith.muli %add3A_853, %mul3A_854 : i32
      %add3A_856 = arith.addi %mul3A_2, %mul3A_855 : i32
      %dma_wait3A_857 = arith.constant 3 : i32
      %dma_wait3A_858 = arith.constant 0 : i32
      %dma_wait3A_859 = arith.constant 0 : i32
      %dma_wait3A_860 = tpu.memref_slice %arg6[%dma_wait3A_857, %dma_wait3A_858, %dma_wait3A_859] : memref<4x640x32xf32, #tpu.memory_space<vmem>> -> memref<1x640x32xf32, #tpu.memory_space<vmem>>
      %dma_wait3A_861 = tpu.memref_squeeze %dma_wait3A_860 : memref<1x640x32xf32, #tpu.memory_space<vmem>> -> memref<640x32xf32, #tpu.memory_space<vmem>>
      %dma_wait3A_862 = arith.constant 0 : i32
      %dma_wait3A_863 = tpu.memref_slice %arg4[%add3A_856, %dma_wait3A_862] : memref<819200x32xf32, #tpu.memory_space<hbm>> -> memref<640x32xf32, #tpu.memory_space<hbm>>
      %dma_wait3A_864 = arith.constant 0 : i32
      %dma_wait3A_865 = tpu.memref_slice %arg4[%add3A_856, %dma_wait3A_864] : memref<819200x32xf32, #tpu.memory_space<hbm>> -> memref<640x32xf32, #tpu.memory_space<hbm>>
      %dma_wait3A_866 = arith.constant 0 : i32
      %dma_wait3A_867 = arith.constant 0 : i32
      %dma_wait3A_868 = tpu.memref_slice %arg6[%dma_wait3A_857, %dma_wait3A_866, %dma_wait3A_867] : memref<4x640x32xf32, #tpu.memory_space<vmem>> -> memref<1x640x32xf32, #tpu.memory_space<vmem>>
      %dma_wait3A_869 = tpu.memref_squeeze %dma_wait3A_868 : memref<1x640x32xf32, #tpu.memory_space<vmem>> -> memref<640x32xf32, #tpu.memory_space<vmem>>
      tpu.wait_dma2 semaphore(%arg14 : memref<!tpu.dma_semaphore, #tpu.memory_space<semaphore_mem>>) src(%dma_wait3A_869 : memref<640x32xf32, #tpu.memory_space<vmem>>) dst(%dma_wait3A_865 : memref<640x32xf32, #tpu.memory_space<hbm>>)
      %add3A_870 = arith.constant 4 : i32
      %add3A_871 = arith.addi %mul3A_428, %add3A_870 : i32
      %add3A_872 = arith.constant 3 : i32
      %add3A_873 = arith.addi %add3A_871, %add3A_872 : i32
      %mul3A_874 = arith.constant 5 : i32
      %mul3A_875 = arith.muli %add3A_873, %mul3A_874 : i32
      %add3A_876 = arith.constant 0 : i32
      %add3A_877 = arith.addi %mul3A_875, %add3A_876 : i32
      %dma_start3A_878 = arith.constant 3 : i32
      %dma_start3A_879 = arith.constant 0 : i32
      %dma_start3A_880 = arith.constant 0 : i32
      %dma_start3A_881 = tpu.memref_slice %arg6[%dma_start3A_878, %dma_start3A_879, %dma_start3A_880] : memref<4x640x32xf32, #tpu.memory_space<vmem>> -> memref<1x128x32xf32, #tpu.memory_space<vmem>>
      %dma_start3A_882 = tpu.memref_squeeze %dma_start3A_881 : memref<1x128x32xf32, #tpu.memory_space<vmem>> -> memref<128x32xf32, #tpu.memory_space<vmem>>
      %dma_start3A_883 = arith.constant 0 : i32
      %dma_start3A_884 = tpu.memref_slice %arg5[%add3A_877, %dma_start3A_883] : memref<200x128xi32, #tpu.memory_space<vmem>> -> memref<1x128xi32, #tpu.memory_space<vmem>>
      %dma_start3A_885 = tpu.memref_squeeze %dma_start3A_884 : memref<1x128xi32, #tpu.memory_space<vmem>> -> memref<128xi32, #tpu.memory_space<vmem>>
      %dma_start3A_886 = arith.constant 0 : i32
      %dma_start3A_887 = arith.constant 0 : i32
      %dma_start3A_888 = tpu.memref_slice %arg2[%dma_start3A_886, %dma_start3A_887] : memref<1000000x32xf32, #tpu.memory_space<hbm>> -> memref<1000000x32xf32, #tpu.memory_space<hbm>>
      tpu.enqueue_indirect_dma source(%dma_start3A_888 : memref<1000000x32xf32, #tpu.memory_space<hbm>>) target(%dma_start3A_882 : memref<128x32xf32, #tpu.memory_space<vmem>>) offsets(%dma_start3A_885 : memref<128xi32, #tpu.memory_space<vmem>>) semaphore(%arg10 : memref<!tpu.dma_semaphore, #tpu.memory_space<semaphore_mem>>)
      %mul3A_889 = arith.constant 5 : i32
      %mul3A_890 = arith.muli %add3A_873, %mul3A_889 : i32
      %add3A_891 = arith.constant 1 : i32
      %add3A_892 = arith.addi %mul3A_890, %add3A_891 : i32
      %dma_start3A_893 = arith.constant 3 : i32
      %dma_start3A_894 = arith.constant 128 : i32
      %dma_start3A_895 = arith.constant 0 : i32
      %dma_start3A_896 = tpu.memref_slice %arg6[%dma_start3A_893, %dma_start3A_894, %dma_start3A_895] : memref<4x640x32xf32, #tpu.memory_space<vmem>> -> memref<1x128x32xf32, #tpu.memory_space<vmem>>
      %dma_start3A_897 = tpu.memref_squeeze %dma_start3A_896 : memref<1x128x32xf32, #tpu.memory_space<vmem>> -> memref<128x32xf32, #tpu.memory_space<vmem>>
      %dma_start3A_898 = arith.constant 0 : i32
      %dma_start3A_899 = tpu.memref_slice %arg5[%add3A_892, %dma_start3A_898] : memref<200x128xi32, #tpu.memory_space<vmem>> -> memref<1x128xi32, #tpu.memory_space<vmem>>
      %dma_start3A_900 = tpu.memref_squeeze %dma_start3A_899 : memref<1x128xi32, #tpu.memory_space<vmem>> -> memref<128xi32, #tpu.memory_space<vmem>>
      %dma_start3A_901 = arith.constant 0 : i32
      %dma_start3A_902 = arith.constant 0 : i32
      %dma_start3A_903 = tpu.memref_slice %arg2[%dma_start3A_901, %dma_start3A_902] : memref<1000000x32xf32, #tpu.memory_space<hbm>> -> memref<1000000x32xf32, #tpu.memory_space<hbm>>
      tpu.enqueue_indirect_dma source(%dma_start3A_903 : memref<1000000x32xf32, #tpu.memory_space<hbm>>) target(%dma_start3A_897 : memref<128x32xf32, #tpu.memory_space<vmem>>) offsets(%dma_start3A_900 : memref<128xi32, #tpu.memory_space<vmem>>) semaphore(%arg10 : memref<!tpu.dma_semaphore, #tpu.memory_space<semaphore_mem>>)
      %mul3A_904 = arith.constant 5 : i32
      %mul3A_905 = arith.muli %add3A_873, %mul3A_904 : i32
      %add3A_906 = arith.constant 2 : i32
      %add3A_907 = arith.addi %mul3A_905, %add3A_906 : i32
      %dma_start3A_908 = arith.constant 3 : i32
      %dma_start3A_909 = arith.constant 256 : i32
      %dma_start3A_910 = arith.constant 0 : i32
      %dma_start3A_911 = tpu.memref_slice %arg6[%dma_start3A_908, %dma_start3A_909, %dma_start3A_910] : memref<4x640x32xf32, #tpu.memory_space<vmem>> -> memref<1x128x32xf32, #tpu.memory_space<vmem>>
      %dma_start3A_912 = tpu.memref_squeeze %dma_start3A_911 : memref<1x128x32xf32, #tpu.memory_space<vmem>> -> memref<128x32xf32, #tpu.memory_space<vmem>>
      %dma_start3A_913 = arith.constant 0 : i32
      %dma_start3A_914 = tpu.memref_slice %arg5[%add3A_907, %dma_start3A_913] : memref<200x128xi32, #tpu.memory_space<vmem>> -> memref<1x128xi32, #tpu.memory_space<vmem>>
      %dma_start3A_915 = tpu.memref_squeeze %dma_start3A_914 : memref<1x128xi32, #tpu.memory_space<vmem>> -> memref<128xi32, #tpu.memory_space<vmem>>
      %dma_start3A_916 = arith.constant 0 : i32
      %dma_start3A_917 = arith.constant 0 : i32
      %dma_start3A_918 = tpu.memref_slice %arg2[%dma_start3A_916, %dma_start3A_917] : memref<1000000x32xf32, #tpu.memory_space<hbm>> -> memref<1000000x32xf32, #tpu.memory_space<hbm>>
      tpu.enqueue_indirect_dma source(%dma_start3A_918 : memref<1000000x32xf32, #tpu.memory_space<hbm>>) target(%dma_start3A_912 : memref<128x32xf32, #tpu.memory_space<vmem>>) offsets(%dma_start3A_915 : memref<128xi32, #tpu.memory_space<vmem>>) semaphore(%arg10 : memref<!tpu.dma_semaphore, #tpu.memory_space<semaphore_mem>>)
      %mul3A_919 = arith.constant 5 : i32
      %mul3A_920 = arith.muli %add3A_873, %mul3A_919 : i32
      %add3A_921 = arith.constant 3 : i32
      %add3A_922 = arith.addi %mul3A_920, %add3A_921 : i32
      %dma_start3A_923 = arith.constant 3 : i32
      %dma_start3A_924 = arith.constant 384 : i32
      %dma_start3A_925 = arith.constant 0 : i32
      %dma_start3A_926 = tpu.memref_slice %arg6[%dma_start3A_923, %dma_start3A_924, %dma_start3A_925] : memref<4x640x32xf32, #tpu.memory_space<vmem>> -> memref<1x128x32xf32, #tpu.memory_space<vmem>>
      %dma_start3A_927 = tpu.memref_squeeze %dma_start3A_926 : memref<1x128x32xf32, #tpu.memory_space<vmem>> -> memref<128x32xf32, #tpu.memory_space<vmem>>
      %dma_start3A_928 = arith.constant 0 : i32
      %dma_start3A_929 = tpu.memref_slice %arg5[%add3A_922, %dma_start3A_928] : memref<200x128xi32, #tpu.memory_space<vmem>> -> memref<1x128xi32, #tpu.memory_space<vmem>>
      %dma_start3A_930 = tpu.memref_squeeze %dma_start3A_929 : memref<1x128xi32, #tpu.memory_space<vmem>> -> memref<128xi32, #tpu.memory_space<vmem>>
      %dma_start3A_931 = arith.constant 0 : i32
      %dma_start3A_932 = arith.constant 0 : i32
      %dma_start3A_933 = tpu.memref_slice %arg2[%dma_start3A_931, %dma_start3A_932] : memref<1000000x32xf32, #tpu.memory_space<hbm>> -> memref<1000000x32xf32, #tpu.memory_space<hbm>>
      tpu.enqueue_indirect_dma source(%dma_start3A_933 : memref<1000000x32xf32, #tpu.memory_space<hbm>>) target(%dma_start3A_927 : memref<128x32xf32, #tpu.memory_space<vmem>>) offsets(%dma_start3A_930 : memref<128xi32, #tpu.memory_space<vmem>>) semaphore(%arg10 : memref<!tpu.dma_semaphore, #tpu.memory_space<semaphore_mem>>)
      %mul3A_934 = arith.constant 5 : i32
      %mul3A_935 = arith.muli %add3A_873, %mul3A_934 : i32
      %add3A_936 = arith.constant 4 : i32
      %add3A_937 = arith.addi %mul3A_935, %add3A_936 : i32
      %dma_start3A_938 = arith.constant 3 : i32
      %dma_start3A_939 = arith.constant 512 : i32
      %dma_start3A_940 = arith.constant 0 : i32
      %dma_start3A_941 = tpu.memref_slice %arg6[%dma_start3A_938, %dma_start3A_939, %dma_start3A_940] : memref<4x640x32xf32, #tpu.memory_space<vmem>> -> memref<1x128x32xf32, #tpu.memory_space<vmem>>
      %dma_start3A_942 = tpu.memref_squeeze %dma_start3A_941 : memref<1x128x32xf32, #tpu.memory_space<vmem>> -> memref<128x32xf32, #tpu.memory_space<vmem>>
      %dma_start3A_943 = arith.constant 0 : i32
      %dma_start3A_944 = tpu.memref_slice %arg5[%add3A_937, %dma_start3A_943] : memref<200x128xi32, #tpu.memory_space<vmem>> -> memref<1x128xi32, #tpu.memory_space<vmem>>
      %dma_start3A_945 = tpu.memref_squeeze %dma_start3A_944 : memref<1x128xi32, #tpu.memory_space<vmem>> -> memref<128xi32, #tpu.memory_space<vmem>>
      %dma_start3A_946 = arith.constant 0 : i32
      %dma_start3A_947 = arith.constant 0 : i32
      %dma_start3A_948 = tpu.memref_slice %arg2[%dma_start3A_946, %dma_start3A_947] : memref<1000000x32xf32, #tpu.memory_space<hbm>> -> memref<1000000x32xf32, #tpu.memory_space<hbm>>
      tpu.enqueue_indirect_dma source(%dma_start3A_948 : memref<1000000x32xf32, #tpu.memory_space<hbm>>) target(%dma_start3A_942 : memref<128x32xf32, #tpu.memory_space<vmem>>) offsets(%dma_start3A_945 : memref<128xi32, #tpu.memory_space<vmem>>) semaphore(%arg10 : memref<!tpu.dma_semaphore, #tpu.memory_space<semaphore_mem>>)
    }
    %scan3A_246 = arith.constant 9 : i32
    %dma_wait3A = arith.constant 0 : i32
    %dma_wait3A_247 = arith.constant 0 : i32
    %dma_wait3A_248 = arith.constant 0 : i32
    %dma_wait3A_249 = tpu.memref_slice %arg6[%dma_wait3A, %dma_wait3A_247, %dma_wait3A_248] : memref<4x640x32xf32, #tpu.memory_space<vmem>> -> memref<1x640x32xf32, #tpu.memory_space<vmem>>
    %dma_wait3A_250 = tpu.memref_squeeze %dma_wait3A_249 : memref<1x640x32xf32, #tpu.memory_space<vmem>> -> memref<640x32xf32, #tpu.memory_space<vmem>>
    %dma_wait3A_251 = arith.constant 0 : i32
    %dma_wait3A_252 = arith.constant 0 : i32
    %dma_wait3A_253 = tpu.memref_slice %arg2[%dma_wait3A_251, %dma_wait3A_252] : memref<1000000x32xf32, #tpu.memory_space<hbm>> -> memref<640x32xf32, #tpu.memory_space<hbm>>
    %dma_wait3A_254 = arith.constant 0 : i32
    %dma_wait3A_255 = arith.constant 0 : i32
    %dma_wait3A_256 = tpu.memref_slice %arg6[%dma_wait3A, %dma_wait3A_254, %dma_wait3A_255] : memref<4x640x32xf32, #tpu.memory_space<vmem>> -> memref<1x640x32xf32, #tpu.memory_space<vmem>>
    %dma_wait3A_257 = tpu.memref_squeeze %dma_wait3A_256 : memref<1x640x32xf32, #tpu.memory_space<vmem>> -> memref<640x32xf32, #tpu.memory_space<vmem>>
    %dma_wait3A_258 = arith.constant 0 : i32
    %dma_wait3A_259 = arith.constant 0 : i32
    %dma_wait3A_260 = tpu.memref_slice %arg2[%dma_wait3A_258, %dma_wait3A_259] : memref<1000000x32xf32, #tpu.memory_space<hbm>> -> memref<640x32xf32, #tpu.memory_space<hbm>>
    tpu.wait_dma2 semaphore(%arg7 : memref<!tpu.dma_semaphore, #tpu.memory_space<semaphore_mem>>) src(%dma_wait3A_260 : memref<640x32xf32, #tpu.memory_space<hbm>>) dst(%dma_wait3A_257 : memref<640x32xf32, #tpu.memory_space<vmem>>)
    %add3A_261 = arith.constant 23040 : i32
    %add3A_262 = arith.addi %mul3A_2, %add3A_261 : i32
    %dma_start3A_263 = arith.constant 0 : i32
    %dma_start3A_264 = arith.constant 0 : i32
    %dma_start3A_265 = arith.constant 0 : i32
    %dma_start3A_266 = tpu.memref_slice %arg6[%dma_start3A_263, %dma_start3A_264, %dma_start3A_265] : memref<4x640x32xf32, #tpu.memory_space<vmem>> -> memref<1x640x32xf32, #tpu.memory_space<vmem>>
    %dma_start3A_267 = tpu.memref_squeeze %dma_start3A_266 : memref<1x640x32xf32, #tpu.memory_space<vmem>> -> memref<640x32xf32, #tpu.memory_space<vmem>>
    %dma_start3A_268 = arith.constant 0 : i32
    %dma_start3A_269 = tpu.memref_slice %arg4[%add3A_262, %dma_start3A_268] : memref<819200x32xf32, #tpu.memory_space<hbm>> -> memref<640x32xf32, #tpu.memory_space<hbm>>
    %dma_start3A_270 = arith.constant 0 : i32
    %dma_start3A_271 = tpu.memref_slice %arg4[%add3A_262, %dma_start3A_270] : memref<819200x32xf32, #tpu.memory_space<hbm>> -> memref<640x32xf32, #tpu.memory_space<hbm>>
    %dma_start3A_272 = arith.constant 0 : i32
    %dma_start3A_273 = arith.constant 0 : i32
    %dma_start3A_274 = tpu.memref_slice %arg6[%dma_start3A_263, %dma_start3A_272, %dma_start3A_273] : memref<4x640x32xf32, #tpu.memory_space<vmem>> -> memref<1x640x32xf32, #tpu.memory_space<vmem>>
    %dma_start3A_275 = tpu.memref_squeeze %dma_start3A_274 : memref<1x640x32xf32, #tpu.memory_space<vmem>> -> memref<640x32xf32, #tpu.memory_space<vmem>>
    tpu.enqueue_dma source(%dma_start3A_275 : memref<640x32xf32, #tpu.memory_space<vmem>>) target(%dma_start3A_271 : memref<640x32xf32, #tpu.memory_space<hbm>>) target_semaphore(%arg11 : memref<!tpu.dma_semaphore, #tpu.memory_space<semaphore_mem>>)
    %dma_wait3A_276 = arith.constant 1 : i32
    %dma_wait3A_277 = arith.constant 0 : i32
    %dma_wait3A_278 = arith.constant 0 : i32
    %dma_wait3A_279 = tpu.memref_slice %arg6[%dma_wait3A_276, %dma_wait3A_277, %dma_wait3A_278] : memref<4x640x32xf32, #tpu.memory_space<vmem>> -> memref<1x640x32xf32, #tpu.memory_space<vmem>>
    %dma_wait3A_280 = tpu.memref_squeeze %dma_wait3A_279 : memref<1x640x32xf32, #tpu.memory_space<vmem>> -> memref<640x32xf32, #tpu.memory_space<vmem>>
    %dma_wait3A_281 = arith.constant 0 : i32
    %dma_wait3A_282 = arith.constant 0 : i32
    %dma_wait3A_283 = tpu.memref_slice %arg2[%dma_wait3A_281, %dma_wait3A_282] : memref<1000000x32xf32, #tpu.memory_space<hbm>> -> memref<640x32xf32, #tpu.memory_space<hbm>>
    %dma_wait3A_284 = arith.constant 0 : i32
    %dma_wait3A_285 = arith.constant 0 : i32
    %dma_wait3A_286 = tpu.memref_slice %arg6[%dma_wait3A_276, %dma_wait3A_284, %dma_wait3A_285] : memref<4x640x32xf32, #tpu.memory_space<vmem>> -> memref<1x640x32xf32, #tpu.memory_space<vmem>>
    %dma_wait3A_287 = tpu.memref_squeeze %dma_wait3A_286 : memref<1x640x32xf32, #tpu.memory_space<vmem>> -> memref<640x32xf32, #tpu.memory_space<vmem>>
    %dma_wait3A_288 = arith.constant 0 : i32
    %dma_wait3A_289 = arith.constant 0 : i32
    %dma_wait3A_290 = tpu.memref_slice %arg2[%dma_wait3A_288, %dma_wait3A_289] : memref<1000000x32xf32, #tpu.memory_space<hbm>> -> memref<640x32xf32, #tpu.memory_space<hbm>>
    tpu.wait_dma2 semaphore(%arg8 : memref<!tpu.dma_semaphore, #tpu.memory_space<semaphore_mem>>) src(%dma_wait3A_290 : memref<640x32xf32, #tpu.memory_space<hbm>>) dst(%dma_wait3A_287 : memref<640x32xf32, #tpu.memory_space<vmem>>)
    %add3A_291 = arith.constant 23680 : i32
    %add3A_292 = arith.addi %mul3A_2, %add3A_291 : i32
    %dma_start3A_293 = arith.constant 1 : i32
    %dma_start3A_294 = arith.constant 0 : i32
    %dma_start3A_295 = arith.constant 0 : i32
    %dma_start3A_296 = tpu.memref_slice %arg6[%dma_start3A_293, %dma_start3A_294, %dma_start3A_295] : memref<4x640x32xf32, #tpu.memory_space<vmem>> -> memref<1x640x32xf32, #tpu.memory_space<vmem>>
    %dma_start3A_297 = tpu.memref_squeeze %dma_start3A_296 : memref<1x640x32xf32, #tpu.memory_space<vmem>> -> memref<640x32xf32, #tpu.memory_space<vmem>>
    %dma_start3A_298 = arith.constant 0 : i32
    %dma_start3A_299 = tpu.memref_slice %arg4[%add3A_292, %dma_start3A_298] : memref<819200x32xf32, #tpu.memory_space<hbm>> -> memref<640x32xf32, #tpu.memory_space<hbm>>
    %dma_start3A_300 = arith.constant 0 : i32
    %dma_start3A_301 = tpu.memref_slice %arg4[%add3A_292, %dma_start3A_300] : memref<819200x32xf32, #tpu.memory_space<hbm>> -> memref<640x32xf32, #tpu.memory_space<hbm>>
    %dma_start3A_302 = arith.constant 0 : i32
    %dma_start3A_303 = arith.constant 0 : i32
    %dma_start3A_304 = tpu.memref_slice %arg6[%dma_start3A_293, %dma_start3A_302, %dma_start3A_303] : memref<4x640x32xf32, #tpu.memory_space<vmem>> -> memref<1x640x32xf32, #tpu.memory_space<vmem>>
    %dma_start3A_305 = tpu.memref_squeeze %dma_start3A_304 : memref<1x640x32xf32, #tpu.memory_space<vmem>> -> memref<640x32xf32, #tpu.memory_space<vmem>>
    tpu.enqueue_dma source(%dma_start3A_305 : memref<640x32xf32, #tpu.memory_space<vmem>>) target(%dma_start3A_301 : memref<640x32xf32, #tpu.memory_space<hbm>>) target_semaphore(%arg12 : memref<!tpu.dma_semaphore, #tpu.memory_space<semaphore_mem>>)
    %dma_wait3A_306 = arith.constant 2 : i32
    %dma_wait3A_307 = arith.constant 0 : i32
    %dma_wait3A_308 = arith.constant 0 : i32
    %dma_wait3A_309 = tpu.memref_slice %arg6[%dma_wait3A_306, %dma_wait3A_307, %dma_wait3A_308] : memref<4x640x32xf32, #tpu.memory_space<vmem>> -> memref<1x640x32xf32, #tpu.memory_space<vmem>>
    %dma_wait3A_310 = tpu.memref_squeeze %dma_wait3A_309 : memref<1x640x32xf32, #tpu.memory_space<vmem>> -> memref<640x32xf32, #tpu.memory_space<vmem>>
    %dma_wait3A_311 = arith.constant 0 : i32
    %dma_wait3A_312 = arith.constant 0 : i32
    %dma_wait3A_313 = tpu.memref_slice %arg2[%dma_wait3A_311, %dma_wait3A_312] : memref<1000000x32xf32, #tpu.memory_space<hbm>> -> memref<640x32xf32, #tpu.memory_space<hbm>>
    %dma_wait3A_314 = arith.constant 0 : i32
    %dma_wait3A_315 = arith.constant 0 : i32
    %dma_wait3A_316 = tpu.memref_slice %arg6[%dma_wait3A_306, %dma_wait3A_314, %dma_wait3A_315] : memref<4x640x32xf32, #tpu.memory_space<vmem>> -> memref<1x640x32xf32, #tpu.memory_space<vmem>>
    %dma_wait3A_317 = tpu.memref_squeeze %dma_wait3A_316 : memref<1x640x32xf32, #tpu.memory_space<vmem>> -> memref<640x32xf32, #tpu.memory_space<vmem>>
    %dma_wait3A_318 = arith.constant 0 : i32
    %dma_wait3A_319 = arith.constant 0 : i32
    %dma_wait3A_320 = tpu.memref_slice %arg2[%dma_wait3A_318, %dma_wait3A_319] : memref<1000000x32xf32, #tpu.memory_space<hbm>> -> memref<640x32xf32, #tpu.memory_space<hbm>>
    tpu.wait_dma2 semaphore(%arg9 : memref<!tpu.dma_semaphore, #tpu.memory_space<semaphore_mem>>) src(%dma_wait3A_320 : memref<640x32xf32, #tpu.memory_space<hbm>>) dst(%dma_wait3A_317 : memref<640x32xf32, #tpu.memory_space<vmem>>)
    %add3A_321 = arith.constant 24320 : i32
    %add3A_322 = arith.addi %mul3A_2, %add3A_321 : i32
    %dma_start3A_323 = arith.constant 2 : i32
    %dma_start3A_324 = arith.constant 0 : i32
    %dma_start3A_325 = arith.constant 0 : i32
    %dma_start3A_326 = tpu.memref_slice %arg6[%dma_start3A_323, %dma_start3A_324, %dma_start3A_325] : memref<4x640x32xf32, #tpu.memory_space<vmem>> -> memref<1x640x32xf32, #tpu.memory_space<vmem>>
    %dma_start3A_327 = tpu.memref_squeeze %dma_start3A_326 : memref<1x640x32xf32, #tpu.memory_space<vmem>> -> memref<640x32xf32, #tpu.memory_space<vmem>>
    %dma_start3A_328 = arith.constant 0 : i32
    %dma_start3A_329 = tpu.memref_slice %arg4[%add3A_322, %dma_start3A_328] : memref<819200x32xf32, #tpu.memory_space<hbm>> -> memref<640x32xf32, #tpu.memory_space<hbm>>
    %dma_start3A_330 = arith.constant 0 : i32
    %dma_start3A_331 = tpu.memref_slice %arg4[%add3A_322, %dma_start3A_330] : memref<819200x32xf32, #tpu.memory_space<hbm>> -> memref<640x32xf32, #tpu.memory_space<hbm>>
    %dma_start3A_332 = arith.constant 0 : i32
    %dma_start3A_333 = arith.constant 0 : i32
    %dma_start3A_334 = tpu.memref_slice %arg6[%dma_start3A_323, %dma_start3A_332, %dma_start3A_333] : memref<4x640x32xf32, #tpu.memory_space<vmem>> -> memref<1x640x32xf32, #tpu.memory_space<vmem>>
    %dma_start3A_335 = tpu.memref_squeeze %dma_start3A_334 : memref<1x640x32xf32, #tpu.memory_space<vmem>> -> memref<640x32xf32, #tpu.memory_space<vmem>>
    tpu.enqueue_dma source(%dma_start3A_335 : memref<640x32xf32, #tpu.memory_space<vmem>>) target(%dma_start3A_331 : memref<640x32xf32, #tpu.memory_space<hbm>>) target_semaphore(%arg13 : memref<!tpu.dma_semaphore, #tpu.memory_space<semaphore_mem>>)
    %dma_wait3A_336 = arith.constant 3 : i32
    %dma_wait3A_337 = arith.constant 0 : i32
    %dma_wait3A_338 = arith.constant 0 : i32
    %dma_wait3A_339 = tpu.memref_slice %arg6[%dma_wait3A_336, %dma_wait3A_337, %dma_wait3A_338] : memref<4x640x32xf32, #tpu.memory_space<vmem>> -> memref<1x640x32xf32, #tpu.memory_space<vmem>>
    %dma_wait3A_340 = tpu.memref_squeeze %dma_wait3A_339 : memref<1x640x32xf32, #tpu.memory_space<vmem>> -> memref<640x32xf32, #tpu.memory_space<vmem>>
    %dma_wait3A_341 = arith.constant 0 : i32
    %dma_wait3A_342 = arith.constant 0 : i32
    %dma_wait3A_343 = tpu.memref_slice %arg2[%dma_wait3A_341, %dma_wait3A_342] : memref<1000000x32xf32, #tpu.memory_space<hbm>> -> memref<640x32xf32, #tpu.memory_space<hbm>>
    %dma_wait3A_344 = arith.constant 0 : i32
    %dma_wait3A_345 = arith.constant 0 : i32
    %dma_wait3A_346 = tpu.memref_slice %arg6[%dma_wait3A_336, %dma_wait3A_344, %dma_wait3A_345] : memref<4x640x32xf32, #tpu.memory_space<vmem>> -> memref<1x640x32xf32, #tpu.memory_space<vmem>>
    %dma_wait3A_347 = tpu.memref_squeeze %dma_wait3A_346 : memref<1x640x32xf32, #tpu.memory_space<vmem>> -> memref<640x32xf32, #tpu.memory_space<vmem>>
    %dma_wait3A_348 = arith.constant 0 : i32
    %dma_wait3A_349 = arith.constant 0 : i32
    %dma_wait3A_350 = tpu.memref_slice %arg2[%dma_wait3A_348, %dma_wait3A_349] : memref<1000000x32xf32, #tpu.memory_space<hbm>> -> memref<640x32xf32, #tpu.memory_space<hbm>>
    tpu.wait_dma2 semaphore(%arg10 : memref<!tpu.dma_semaphore, #tpu.memory_space<semaphore_mem>>) src(%dma_wait3A_350 : memref<640x32xf32, #tpu.memory_space<hbm>>) dst(%dma_wait3A_347 : memref<640x32xf32, #tpu.memory_space<vmem>>)
    %add3A_351 = arith.constant 24960 : i32
    %add3A_352 = arith.addi %mul3A_2, %add3A_351 : i32
    %dma_start3A_353 = arith.constant 3 : i32
    %dma_start3A_354 = arith.constant 0 : i32
    %dma_start3A_355 = arith.constant 0 : i32
    %dma_start3A_356 = tpu.memref_slice %arg6[%dma_start3A_353, %dma_start3A_354, %dma_start3A_355] : memref<4x640x32xf32, #tpu.memory_space<vmem>> -> memref<1x640x32xf32, #tpu.memory_space<vmem>>
    %dma_start3A_357 = tpu.memref_squeeze %dma_start3A_356 : memref<1x640x32xf32, #tpu.memory_space<vmem>> -> memref<640x32xf32, #tpu.memory_space<vmem>>
    %dma_start3A_358 = arith.constant 0 : i32
    %dma_start3A_359 = tpu.memref_slice %arg4[%add3A_352, %dma_start3A_358] : memref<819200x32xf32, #tpu.memory_space<hbm>> -> memref<640x32xf32, #tpu.memory_space<hbm>>
    %dma_start3A_360 = arith.constant 0 : i32
    %dma_start3A_361 = tpu.memref_slice %arg4[%add3A_352, %dma_start3A_360] : memref<819200x32xf32, #tpu.memory_space<hbm>> -> memref<640x32xf32, #tpu.memory_space<hbm>>
    %dma_start3A_362 = arith.constant 0 : i32
    %dma_start3A_363 = arith.constant 0 : i32
    %dma_start3A_364 = tpu.memref_slice %arg6[%dma_start3A_353, %dma_start3A_362, %dma_start3A_363] : memref<4x640x32xf32, #tpu.memory_space<vmem>> -> memref<1x640x32xf32, #tpu.memory_space<vmem>>
    %dma_start3A_365 = tpu.memref_squeeze %dma_start3A_364 : memref<1x640x32xf32, #tpu.memory_space<vmem>> -> memref<640x32xf32, #tpu.memory_space<vmem>>
    tpu.enqueue_dma source(%dma_start3A_365 : memref<640x32xf32, #tpu.memory_space<vmem>>) target(%dma_start3A_361 : memref<640x32xf32, #tpu.memory_space<hbm>>) target_semaphore(%arg14 : memref<!tpu.dma_semaphore, #tpu.memory_space<semaphore_mem>>)
    %add3A_366 = arith.constant 23040 : i32
    %add3A_367 = arith.addi %mul3A_2, %add3A_366 : i32
    %dma_wait3A_368 = arith.constant 0 : i32
    %dma_wait3A_369 = arith.constant 0 : i32
    %dma_wait3A_370 = arith.constant 0 : i32
    %dma_wait3A_371 = tpu.memref_slice %arg6[%dma_wait3A_368, %dma_wait3A_369, %dma_wait3A_370] : memref<4x640x32xf32, #tpu.memory_space<vmem>> -> memref<1x640x32xf32, #tpu.memory_space<vmem>>
    %dma_wait3A_372 = tpu.memref_squeeze %dma_wait3A_371 : memref<1x640x32xf32, #tpu.memory_space<vmem>> -> memref<640x32xf32, #tpu.memory_space<vmem>>
    %dma_wait3A_373 = arith.constant 0 : i32
    %dma_wait3A_374 = tpu.memref_slice %arg4[%add3A_367, %dma_wait3A_373] : memref<819200x32xf32, #tpu.memory_space<hbm>> -> memref<640x32xf32, #tpu.memory_space<hbm>>
    %dma_wait3A_375 = arith.constant 0 : i32
    %dma_wait3A_376 = tpu.memref_slice %arg4[%add3A_367, %dma_wait3A_375] : memref<819200x32xf32, #tpu.memory_space<hbm>> -> memref<640x32xf32, #tpu.memory_space<hbm>>
    %dma_wait3A_377 = arith.constant 0 : i32
    %dma_wait3A_378 = arith.constant 0 : i32
    %dma_wait3A_379 = tpu.memref_slice %arg6[%dma_wait3A_368, %dma_wait3A_377, %dma_wait3A_378] : memref<4x640x32xf32, #tpu.memory_space<vmem>> -> memref<1x640x32xf32, #tpu.memory_space<vmem>>
    %dma_wait3A_380 = tpu.memref_squeeze %dma_wait3A_379 : memref<1x640x32xf32, #tpu.memory_space<vmem>> -> memref<640x32xf32, #tpu.memory_space<vmem>>
    tpu.wait_dma2 semaphore(%arg11 : memref<!tpu.dma_semaphore, #tpu.memory_space<semaphore_mem>>) src(%dma_wait3A_380 : memref<640x32xf32, #tpu.memory_space<vmem>>) dst(%dma_wait3A_376 : memref<640x32xf32, #tpu.memory_space<hbm>>)
    %add3A_381 = arith.constant 23680 : i32
    %add3A_382 = arith.addi %mul3A_2, %add3A_381 : i32
    %dma_wait3A_383 = arith.constant 1 : i32
    %dma_wait3A_384 = arith.constant 0 : i32
    %dma_wait3A_385 = arith.constant 0 : i32
    %dma_wait3A_386 = tpu.memref_slice %arg6[%dma_wait3A_383, %dma_wait3A_384, %dma_wait3A_385] : memref<4x640x32xf32, #tpu.memory_space<vmem>> -> memref<1x640x32xf32, #tpu.memory_space<vmem>>
    %dma_wait3A_387 = tpu.memref_squeeze %dma_wait3A_386 : memref<1x640x32xf32, #tpu.memory_space<vmem>> -> memref<640x32xf32, #tpu.memory_space<vmem>>
    %dma_wait3A_388 = arith.constant 0 : i32
    %dma_wait3A_389 = tpu.memref_slice %arg4[%add3A_382, %dma_wait3A_388] : memref<819200x32xf32, #tpu.memory_space<hbm>> -> memref<640x32xf32, #tpu.memory_space<hbm>>
    %dma_wait3A_390 = arith.constant 0 : i32
    %dma_wait3A_391 = tpu.memref_slice %arg4[%add3A_382, %dma_wait3A_390] : memref<819200x32xf32, #tpu.memory_space<hbm>> -> memref<640x32xf32, #tpu.memory_space<hbm>>
    %dma_wait3A_392 = arith.constant 0 : i32
    %dma_wait3A_393 = arith.constant 0 : i32
    %dma_wait3A_394 = tpu.memref_slice %arg6[%dma_wait3A_383, %dma_wait3A_392, %dma_wait3A_393] : memref<4x640x32xf32, #tpu.memory_space<vmem>> -> memref<1x640x32xf32, #tpu.memory_space<vmem>>
    %dma_wait3A_395 = tpu.memref_squeeze %dma_wait3A_394 : memref<1x640x32xf32, #tpu.memory_space<vmem>> -> memref<640x32xf32, #tpu.memory_space<vmem>>
    tpu.wait_dma2 semaphore(%arg12 : memref<!tpu.dma_semaphore, #tpu.memory_space<semaphore_mem>>) src(%dma_wait3A_395 : memref<640x32xf32, #tpu.memory_space<vmem>>) dst(%dma_wait3A_391 : memref<640x32xf32, #tpu.memory_space<hbm>>)
    %add3A_396 = arith.constant 24320 : i32
    %add3A_397 = arith.addi %mul3A_2, %add3A_396 : i32
    %dma_wait3A_398 = arith.constant 2 : i32
    %dma_wait3A_399 = arith.constant 0 : i32
    %dma_wait3A_400 = arith.constant 0 : i32
    %dma_wait3A_401 = tpu.memref_slice %arg6[%dma_wait3A_398, %dma_wait3A_399, %dma_wait3A_400] : memref<4x640x32xf32, #tpu.memory_space<vmem>> -> memref<1x640x32xf32, #tpu.memory_space<vmem>>
    %dma_wait3A_402 = tpu.memref_squeeze %dma_wait3A_401 : memref<1x640x32xf32, #tpu.memory_space<vmem>> -> memref<640x32xf32, #tpu.memory_space<vmem>>
    %dma_wait3A_403 = arith.constant 0 : i32
    %dma_wait3A_404 = tpu.memref_slice %arg4[%add3A_397, %dma_wait3A_403] : memref<819200x32xf32, #tpu.memory_space<hbm>> -> memref<640x32xf32, #tpu.memory_space<hbm>>
    %dma_wait3A_405 = arith.constant 0 : i32
    %dma_wait3A_406 = tpu.memref_slice %arg4[%add3A_397, %dma_wait3A_405] : memref<819200x32xf32, #tpu.memory_space<hbm>> -> memref<640x32xf32, #tpu.memory_space<hbm>>
    %dma_wait3A_407 = arith.constant 0 : i32
    %dma_wait3A_408 = arith.constant 0 : i32
    %dma_wait3A_409 = tpu.memref_slice %arg6[%dma_wait3A_398, %dma_wait3A_407, %dma_wait3A_408] : memref<4x640x32xf32, #tpu.memory_space<vmem>> -> memref<1x640x32xf32, #tpu.memory_space<vmem>>
    %dma_wait3A_410 = tpu.memref_squeeze %dma_wait3A_409 : memref<1x640x32xf32, #tpu.memory_space<vmem>> -> memref<640x32xf32, #tpu.memory_space<vmem>>
    tpu.wait_dma2 semaphore(%arg13 : memref<!tpu.dma_semaphore, #tpu.memory_space<semaphore_mem>>) src(%dma_wait3A_410 : memref<640x32xf32, #tpu.memory_space<vmem>>) dst(%dma_wait3A_406 : memref<640x32xf32, #tpu.memory_space<hbm>>)
    %add3A_411 = arith.constant 24960 : i32
    %add3A_412 = arith.addi %mul3A_2, %add3A_411 : i32
    %dma_wait3A_413 = arith.constant 3 : i32
    %dma_wait3A_414 = arith.constant 0 : i32
    %dma_wait3A_415 = arith.constant 0 : i32
    %dma_wait3A_416 = tpu.memref_slice %arg6[%dma_wait3A_413, %dma_wait3A_414, %dma_wait3A_415] : memref<4x640x32xf32, #tpu.memory_space<vmem>> -> memref<1x640x32xf32, #tpu.memory_space<vmem>>
    %dma_wait3A_417 = tpu.memref_squeeze %dma_wait3A_416 : memref<1x640x32xf32, #tpu.memory_space<vmem>> -> memref<640x32xf32, #tpu.memory_space<vmem>>
    %dma_wait3A_418 = arith.constant 0 : i32
    %dma_wait3A_419 = tpu.memref_slice %arg4[%add3A_412, %dma_wait3A_418] : memref<819200x32xf32, #tpu.memory_space<hbm>> -> memref<640x32xf32, #tpu.memory_space<hbm>>
    %dma_wait3A_420 = arith.constant 0 : i32
    %dma_wait3A_421 = tpu.memref_slice %arg4[%add3A_412, %dma_wait3A_420] : memref<819200x32xf32, #tpu.memory_space<hbm>> -> memref<640x32xf32, #tpu.memory_space<hbm>>
    %dma_wait3A_422 = arith.constant 0 : i32
    %dma_wait3A_423 = arith.constant 0 : i32
    %dma_wait3A_424 = tpu.memref_slice %arg6[%dma_wait3A_413, %dma_wait3A_422, %dma_wait3A_423] : memref<4x640x32xf32, #tpu.memory_space<vmem>> -> memref<1x640x32xf32, #tpu.memory_space<vmem>>
    %dma_wait3A_425 = tpu.memref_squeeze %dma_wait3A_424 : memref<1x640x32xf32, #tpu.memory_space<vmem>> -> memref<640x32xf32, #tpu.memory_space<vmem>>
    tpu.wait_dma2 semaphore(%arg14 : memref<!tpu.dma_semaphore, #tpu.memory_space<semaphore_mem>>) src(%dma_wait3A_425 : memref<640x32xf32, #tpu.memory_space<vmem>>) dst(%dma_wait3A_421 : memref<640x32xf32, #tpu.memory_space<hbm>>)
    return
  }
}

</mosaic_0001>

<sc_bundles>
// kernel: kernel.3.cloned.1.call-start
scs
__scs_entry_jumppad:
0x0: {  	(pc) =	sbr.rel $0x88, $3  }
0x1: {  	(tag) =	ssettag $0x0;
	lr =	simm.s32 $0x1  }
0x2: {  	[smem:$0x3F9F] =	sst lr;
	_ =	strace $0xD0000000  }
0x3: {  	_ = 	snop  }
0x4: {  	_ = 	snop  }
0x5: {  	_ = 	snop  }
0x6: {  	_ = 	snop  }
0x7: {  	_ = 	snop  }
__scs_overlays_trampoline_lowered:
0x8: {  	[smem:$0x3FAE] =	sst s0  }
0x9: {  	[smem:$0x3FAF] =	sst s1  }
0xa: {  	[smem:$0x3FB0] =	sst s2  }
0xb: {  	[smem:$0x3FB1] =	sst s3  }
0xc: {  	[smem:$0x3FB2] =	sst s4  }
0xd: {  	[smem:$0x3FB3] =	sst s5  }
0xe: {  	[smem:$0x3FB4] =	sst s6  }
0xf: {  	[smem:$0x3FB5] =	sst s7  }
0x10: {  	[smem:$0x3FB6] =	sst s8  }
0x11: {  	[smem:$0x3FB7] =	sst s9;
	s0 =	simm.s32 @!p0 $0x0  }
0x12: {  	s1 =	sld [smem:$0x3F9D];
	s0 =	simm.s32 @p0 $0x1  }
0x13: {  	[smem:$0x3FB8] =	sst s0;
	s0 =	simm.s32 @!p1 $0x0  }
0x14: {  	s2 =	sld [smem:$0x3F9C];
	s0 =	simm.s32 @p1 $0x1  }
0x15: {  	[smem:$0x3FB9] =	sst s0;
	s0 =	simm.s32 @!p2 $0x0  }
0x16: {  	s3 =	sld [smem:$0x3FDB];
	s0 =	simm.s32 @p2 $0x1  }
0x17: {  	s4 =	simm.s32 $0x1BF5;
	[smem:$0x3FBB] =	sst s0  }
0x18: {  	s0 =	sld [smem:$0x3F9E];
	_ =	swait.ge [sflag:s4], $0x0  }
0x19: {  	s7 =	sld [smem:$0x3F9F]  }
0x1a: {  	s8 =	sadd.s32 $0xFFFFE003, lr  }
0x1b: {  	s9 =	sadd.s32 $0xFFFFFEF7, lr;
	s5 =	simm.s32 $0xFFFFFFFF;
	p2 =	slt.u32 s8, $0xFFFFF086  }
0x1c: {  	p1 =	slt.u32 s9, $0xF7A;
	s5 =	simm.s32 @!p2 $0x0  }
0x1d: {  	s5 =	simm.s32 @p1 $0x1;
	p0 =	seq.s32 s7, s2  }
0x1e: {  	s7 =	smul.u32 @!p0 $0xF7A, s2;
	p2 =	seq.s32 @!p0 s5, $0x0  }
0x1f: {  	s9 =	smul.u32 $0xF7A, s1;
	s8 =	simm.s32 @!p0 $0x1BF5;
	p2 =	por !p2, p0  }
0x20: {  	[sflag:s8] =	ssyncset.s32 @!p0 $0xFFFFF086;
	s6 =	sadd.s32 @!p0 s3, s7;
	s7 =	simm.s32 @!p0 $0x108  }
0x21: {  	s3 =	sadd.s32 s3, s9;
	s6 =	sadd.s32 @!p0 $0x88, s6;
	s7 =	simm.s32 @p2 $0x1082  }
0x22: {  	[simem:s7], [sflag:s8] =	dma.local @!p0 [hbm:s6], $0xF7A  }
0x23: {  	s9 =	sor.u32 $0xD0000000, s2;
	s6 =	simm.s32 $0x108;
	_ =	swait.ge @!p0 [sflag:s8], $0x0  }
0x24: {  	s3 =	sadd.s32 $0x88, s3;
	s6 =	simm.s32 @!p1 $0x1082;
	[sflag:s4] =	ssyncset.s32 $0xFFFFF086  }
0x25: {  	[simem:s6], [sflag:s4] =	dma.local [hbm:s3], $0xF7A  }
0x26: {  	[smem:$0x3F9F] =	sst s1;
	(tag) =	ssettag s2;
	_ =	strace s9  }
0x27: {  	s1 =	sld [smem:$0x3FAF]  }
0x28: {  	s2 =	sld [smem:$0x3FB0]  }
0x29: {  	s4 =	sld [smem:$0x3FB2]  }
0x2a: {  	p0 =	seq.s32 s5, $0x0;
	s5 =	sld [smem:$0x3FB3]  }
0x2b: {  	s6 =	sld [smem:$0x3FB4]  }
0x2c: {  	s7 =	sld [smem:$0x3FB5]  }
0x2d: {  	s3 =	simm.s32 $0x108;
	s8 =	sld [smem:$0x3FB6]  }
0x2e: {  	s3 =	simm.s32 @!p0 $0x1082;
	s9 =	sld [smem:$0x3FB7]  }
0x2f: {  	lr =	sadd.s32 s0, s3;
	s0 =	sld [smem:$0x3FAE]  }
0x30: {  	s3 =	sld [smem:$0x3FB1]  }
0x31: {  	[smem:$0x3FBA] =	sst s10  }
0x32: {  	s10 =	sld [smem:$0x3FB8];
	_ =	sdelay $0x3  }
0x33: {  	p0 =	seq.s32 s10, $0x1;
	s10 =	sld [smem:$0x3FBA];
	_ =	sdelay $0x3  }
0x34: {  	[smem:$0x3FBA] =	sst s10  }
0x35: {  	s10 =	sld [smem:$0x3FB9];
	_ =	sdelay $0x3  }
0x36: {  	p1 =	seq.s32 s10, $0x1;
	s10 =	sld [smem:$0x3FBA];
	_ =	sdelay $0x3  }
0x37: {  	[smem:$0x3FBA] =	sst s10  }
0x38: {  	s10 =	sld [smem:$0x3FBB]  }
0x39: {  	_ = 	snop;
	(pc) =	sbr.ind lr, $3  }
0x3a: {  	_ = 	snop  }
0x3b: {  	_ = 	snop  }
0x3c: {  	p2 =	seq.s32 s10, $0x1;
	s10 =	sld [smem:$0x3FBA]  }
0x3d: {  	_ =	shalt  }
0x3e: {  	_ =	shalt  }
0x3f: {  	_ =	shalt  }
0x40: {  	_ =	shalt  }
0x41: {  	_ =	shalt  }
0x42: {  	_ =	shalt  }
0x43: {  	_ =	shalt  }
0x44: {  	_ =	shalt  }
0x45: {  	_ =	shalt  }
0x46: {  	_ =	shalt  }
0x47: {  	_ =	shalt  }
0x48: {  	_ =	shalt  }
0x49: {  	_ =	shalt  }
0x4a: {  	_ =	shalt  }
0x4b: {  	_ =	shalt  }
0x4c: {  	_ =	shalt  }
0x4d: {  	_ =	shalt  }
0x4e: {  	_ =	shalt  }
0x4f: {  	_ =	shalt  }
0x50: {  	_ =	shalt  }
0x51: {  	_ =	shalt  }
0x52: {  	_ =	shalt  }
0x53: {  	_ =	shalt  }
0x54: {  	_ =	shalt  }
0x55: {  	_ =	shalt  }
0x56: {  	_ =	shalt  }
0x57: {  	_ =	shalt  }
0x58: {  	_ =	shalt  }
0x59: {  	_ =	shalt  }
0x5a: {  	_ =	shalt  }
0x5b: {  	_ =	shalt  }
0x5c: {  	_ =	shalt  }
0x5d: {  	_ =	shalt  }
0x5e: {  	_ =	shalt  }
0x5f: {  	_ =	shalt  }
0x60: {  	_ =	shalt  }
0x61: {  	_ =	shalt  }
0x62: {  	_ =	shalt  }
0x63: {  	_ =	shalt  }
0x64: {  	_ =	shalt  }
0x65: {  	_ =	shalt  }
0x66: {  	_ =	shalt  }
0x67: {  	_ =	shalt  }
0x68: {  	_ =	shalt  }
0x69: {  	_ =	shalt  }
0x6a: {  	_ =	shalt  }
0x6b: {  	_ =	shalt  }
0x6c: {  	_ =	shalt  }
0x6d: {  	_ =	shalt  }
0x6e: {  	_ =	shalt  }
0x6f: {  	_ =	shalt  }
0x70: {  	_ =	shalt  }
0x71: {  	_ =	shalt  }
0x72: {  	_ =	shalt  }
0x73: {  	_ =	shalt  }
0x74: {  	_ =	shalt  }
0x75: {  	_ =	shalt  }
0x76: {  	_ =	shalt  }
0x77: {  	_ =	shalt  }
0x78: {  	_ =	shalt  }
0x79: {  	_ =	shalt  }
0x7a: {  	_ =	shalt  }
0x7b: {  	_ =	shalt  }
0x7c: {  	_ =	shalt  }
0x7d: {  	_ =	shalt  }
0x7e: {  	_ =	shalt  }
0x7f: {  	_ =	shalt  }
0x80: {  	_ =	shalt  }
0x81: {  	_ =	shalt  }
0x82: {  	_ =	shalt  }
0x83: {  	_ =	shalt  }
0x84: {  	_ =	shalt  }
0x85: {  	_ =	shalt  }
0x86: {  	_ =	shalt  }
0x87: {  	_ =	shalt  }
.Lfunc_end0:
.L_simem_size_0:
called_computation.1_lowered:
.L_overlay_start_0:
0x88: {  	s2 =	sld [smem:$0x3FD9]  }
0x89: {  	s3 =	sld [smem:$0x3FFE];
	_ =	sdelay $0x1  }
0x8a: {  	s1 =	srdreg.scid  }
0x8b: {  	s0 =	sand.u32 $0x1, s1  }
0x8c: {  	s17 =	sshll.u32 s0, $0xA;
	s2 =	sadd.s32 s3, s2  }
0x8d: {  	s2 =	sadd.s32 s2, s17  }
0x8e: {  	[smem:$0x3FC6] =	sst s2  }
0x8f: {  	_ = 	snop  }
0x90: {  	s2 =	sld [smem:$0x3FD0];
	(tm) =	ssettm $0x1  }
0x91: {  	s18 =	sld [smem:$0x3FFB];
	_ =	sdelay $0x3  }
0x92: {  	_ =	strace s18  }
0x93: {  	s3 =	sld [smem:$0x3FFC];
	_ =	sdelay $0x3  }
0x94: {  	_ =	strace s3  }
0x95: {  	s3 =	sld [smem:$0x3FFD];
	_ =	sdelay $0x3  }
0x96: {  	_ =	strace s3  }
0x97: {  	_ =	strace $0x8FFFFFFF  }
0x98: {  	s19 =	sld [smem:$0x3FDB];
	_ =	sdelay $0x1  }
0x99: {  	s4 =	simm.s32 $_scs_section_size  }
0x9a: {  	s5 =	simm.s32 $_size__tile_overlayer_lowered;
	s6 =	simm.s32 $_tile_overlayer_lowered  }
0x9b: {  	s22 =	simm.s32 $0x1BFF;
	s21 =	sshll.u32 s6, $0x1;
	s3 =	sadd.s32 s4, s19  }
0x9c: {  	s7 =	simm.s32 $0x0;
	s20 =	sshll.u32 s5, $0x1;
	s5 =	sadd.s32 s21, s3  }
0x9d: {  	[timem:s7], [sflag:s22] =	dma.local [hbm:s5], s20  }
0x9e: {  	_ =	swait.ge [sflag:s22], s20  }
0x9f: {  	s4 =	ssub.s32 $0x0, s20;
	[sflag:s22] =	ssyncset.done $0x0  }
0xa0: {  	[sflag:s22] =	ssyncadd.s32 s4;
	_ =	sdelay $0x1  }
0xa1: {  	s23 =	simm.s32 $0x1B8B  }
0xa2: {  	_ =	swait.ge [sflag:s23], $0x1  }
0xa3: {  	[sflag:s23] =	ssyncset.done $0x0  }
0xa4: {  	s25 =	simm.s32 $0x1B8E;
	s24 =	sld [smem:$0x3FFE];
	[sflag:s23] =	ssyncadd.s32 $0xFFFFFFFF  }
0xa5: {  	s26 =	simm.s32 $execute0_lowered;
	[smem:$0x3FD2] =	sst s25  }
0xa6: {  	s5 =	sshll.u32 s26, $0x1;
	_ =	strace $0x80000046;
	[dreg:$0x1] =	wrdreg $0xFFFFFFFF  }
0xa7: {  	s28 =	simm.s32 $_size_execute0_lowered;
	s3 =	sadd.s32 s3, s5;
	[dreg:$0x0] =	wrdreg $0x0  }
0xa8: {  	s5 =	sshll.u32 s28, $0x1;
	[dreg:$0x2] =	wrdreg s3  }
0xa9: {  	[dreg:$0x3] =	wrdreg s5  }
0xaa: {  	[dreg:$0x4] =	wrdreg $0xC0  }
0xab: {  	_ =	task [dreg:s7], $0x5FFFF  }
0xac: {  	[dreg:$0x1] =	wrdreg $0xFFFFFFFF  }
0xad: {  	[dreg:$0x0] =	wrdreg $0x60  }
0xae: {  	[dreg:$0x2] =	wrdreg s24  }
0xaf: {  	[dreg:$0x3] =	wrdreg s2  }
0xb0: {  	[dreg:$0x4] =	wrdreg $0x9  }
0xb1: {  	_ =	task.clear_ibuf [dreg:s7], $0x5FFFF;
	_ =	strace $0x90000046  }
0xb2: {  	s29 =	simm.s32 $0x9;
	_ =	strace $0x80000048  }
0xb3: {  	_ =	swait.ge [sflag:s29], $0x1  }
0xb4: {  	[sflag:s29] =	ssyncadd.s32 $0xFFFFFFFF  }
0xb5: {  	_ =	strace $0x90000048  }
0xb6: {  	_ =	sfence  }
0xb7: {  	s30 =	sld [smem:$0x0];
	_ =	sdelay $0x2  }
0xb8: {  	s31 =	sshll.u32 s1, $0xD;
	s1 =	sshrl.u32 s1, $0x2  }
0xb9: {  	s3 =	sand.u32 $0x4000, s31;
	s1 =	sadd.s32 s1, s30  }
0xba: {  	s0 =	sor.u32 s3, s0;
	s1 =	sshll.u32 s1, $0x11  }
0xbb: {  	s0 =	sor.u32 s1, s0  }
0xbc: {  	s0 =	sadd.s32 $0x8F2B, s0  }
0xbd: {  	[sflag:s0] =	ssyncadd.remote.s32 $0x1  }
0xbe: {  	_ =	sfence.sel $0xFFFF  }
0xbf: {  	[dreg:$0x0] =	wrdreg $0xFFFFFFFF;
	(pc) =	sbr.abs _section_cstart, $3  }
0xc0: {  	[dreg:$0x1] =	wrdreg $0xFFFFFFFF  }
0xc1: {  	_ =	task.clear_ibuf [dreg:s7], $0x2FFFF;
	_ =	strace $0x9FFFFFFF  }
0xc2: {  	(tm) =	ssettm $0x7FFFFFFF  }
0xc3: {  	_ =	shalt  }
tec
execute0_lowered:
.L_overlay_start_1:
0x0: {  	(tag) =	ssettag $0x1  }
0x1: {  	s0 =	srdreg.scid;
	s1 =	rddreg [dreg:$0x0]  }
0x2: {  	s10 =	stileid.u32;
	s4 =	rddreg [dreg:$0x1]  }
0x3: {  	s11 =	simm.s32 $0x80;
	s12 =	simm.s32 $0x6400;
	s15 =	simm.s32 $0x7400  }
0x4: {  	s14 =	simm.s32 $0xD400;
	s16 =	simm.s32 $0x12400;
	s31 =	simm.s32 $0x15400  }
0x5: {  	s29 =	simm.s32 $0x17400;
	s30 =	simm.s32 $0x18400;
	s7 =	smul.u32 $0xC800, s10  }
0x6: {  	s0 =	sand.u32 $0x1, s0;
	s2 =	sshll.u32 s10, $0x1;
	s24 =	smul.u32 $0x32000, s10  }
0x7: {  	s28 =	simm.s32 $0x0;
	s3 =	sor.u32 s0, s2;
	s9 =	smul.u32 $0x6400, s0  }
0x8: {  	s2 =	simm.s32 $0x0;
	s8 =	ssub.s32 $0x2, s0;
	s0 =	smul.u32 $0x19000, s0  }
0x9: {  	s10 =	simm.s32 $0x8;
	s5 =	smul.u32 $0x6400, s3;
	[smem:$0x7FF] =	sst s2  }
0xa: {  	s6 =	smul.u32 $0xC8000, s3;
	s3 =	sadd.s32 $0xF42E00, s1;
	s17 =	sshrl.u32 s8, $0x1  }
0xb: {  	_ =	strace $0x80000047;
	s7 =	sadd.s32 s9, s7;
	s9 =	simm.s32 $0x7  }
0xc: {  	s5 =	sshrl.u32 s5, $0x3;
	s6 =	sshrl.u32 s6, $0x3;
	s19 =	sshll.u32 s7, $0x2  }
0xd: {  	s7 =	simm.s32 $0x5;
	s1 =	sadd.s32 s5, s1;
	s5 =	ssub.s32 s8, s17  }
0xe: {  	s18 =	sadd.s32 s4, s6;
	s6 =	sadd.s32 s19, s4;
	s1 =	sadd.s32 $0xA00, s1  }
0xf: {  	s4 =	sadd.s32 s24, s4;
	s20 =	sadd.s32 $0x16800, s18;
	[dreg:$0x7] =	wrdreg s1  }
0x10: {  	s17 =	simm.s32 $0x8400;
	s21 =	sadd.s32 $0x17200, s18;
	[dreg:$0x8] =	wrdreg s20  }
0x11: {  	s19 =	simm.s32 $0x9400;
	s22 =	sadd.s32 $0x17C00, s18;
	[dreg:$0x9] =	wrdreg s21  }
0x12: {  	s24 =	simm.s32 $0x13400;
	s23 =	sadd.s32 $0x1E00, s6;
	[dreg:$0xa] =	wrdreg s22  }
0x13: {  	s8 =	simm.s32 $0x6;
	s25 =	sadd.s32 $0x1400, s6;
	[dreg:$0x3] =	wrdreg s23  }
0x14: {  	s6 =	sadd.s32 $0xA00, s6;
	s0 =	sadd.s32 s0, s4;
	[dreg:$0x4] =	wrdreg s25  }
0x15: {  	s26 =	smax.u32 s5, $0x1;
	s4 =	simm.s32 $0x2;
	[dreg:$0x5] =	wrdreg s6  }
0x16: {  	s5 =	simm.s32 $0x3;
	s1 =	sadd.s32 $0x18600, s18;
	[dreg:$0xc] =	wrdreg s26  }
0x17: {  	[dreg:$0x6] =	wrdreg s0;
	s23 =	simm.s32 $0xA400;
	s21 =	simm.s32 $0xB400  }
0x18: {  	s25 =	simm.s32 $0xC400;
	s18 =	simm.s32 $0xE400;
	s22 =	simm.s32 $0xF400  }
0x19: {  	s26 =	simm.s32 $0x11400;
	s0 =	simm.s32 $0x14400;
	s20 =	simm.s32 $0x1  }
0x1a: {  	s6 =	simm.s32 $0x4;
	[dreg:$0xb] =	wrdreg s1;
	s1 =	simm.s32 $0x10400  }
.LBB2_1:
0x1b: {  	s13 =	rddreg [dreg:$0x7]  }
0x1c: {  	[tilespmem:s2], [sflag:$0x9] =	stream.linear.gather [hbm4b:s13+s2], $0x6400, $0x38;
	[tilespmem:$0x1A400] =	vst v63  }
0x1d: {  	[dreg:$0xd] =	wrdreg s28;
	s13 =	simm.s32 $0x9  }
0x1e: {  	_ =	swait.ge [sflag:s13], $0x6400  }
0x1f: {  	[sflag:s13] =	ssyncset.done $0x0  }
0x20: {  	[sflag:s13] =	ssyncadd.s32 $0xFFFF9C00  }
0x21: {  	[tilespmem:s12], [sflag:$0x1] =	stream.indirect.gather [hbm4b:s3+s11], $0x20, s2, s11, $0xb8;
	[tilespmem:$0x1A400] =	vst v63  }
0x22: {  	_ = 	snop  }
0x23: {  	[tilespmem:s15], [sflag:$0x1] =	stream.indirect.gather [hbm4b:s3+s11], $0x20, s11, s11, $0xb8;
	[tilespmem:$0x1A400] =	vst v63  }
0x24: {  	s13 =	simm.s32 $0x100  }
0x25: {  	[tilespmem:s17], [sflag:$0x1] =	stream.indirect.gather [hbm4b:s3+s11], $0x20, s13, s11, $0xb8;
	[tilespmem:$0x1A400] =	vst v63  }
0x26: {  	s13 =	simm.s32 $0x180  }
0x27: {  	[tilespmem:s19], [sflag:$0x1] =	stream.indirect.gather [hbm4b:s3+s11], $0x20, s13, s11, $0xb8;
	[tilespmem:$0x1A400] =	vst v63  }
0x28: {  	s13 =	simm.s32 $0x200  }
0x29: {  	[tilespmem:s23], [sflag:$0x1] =	stream.indirect.gather [hbm4b:s3+s11], $0x20, s13, s11, $0xb8;
	[tilespmem:$0x1A400] =	vst v63  }
0x2a: {  	s13 =	simm.s32 $0x280  }
0x2b: {  	[tilespmem:s21], [sflag:$0x2] =	stream.indirect.gather [hbm4b:s3+s11], $0x20, s13, s11, $0xb8;
	[tilespmem:$0x1A400] =	vst v63  }
0x2c: {  	s13 =	simm.s32 $0x300  }
0x2d: {  	[tilespmem:s25], [sflag:$0x2] =	stream.indirect.gather [hbm4b:s3+s11], $0x20, s13, s11, $0xb8;
	[tilespmem:$0x1A400] =	vst v63  }
0x2e: {  	s13 =	simm.s32 $0x380  }
0x2f: {  	[tilespmem:s14], [sflag:$0x2] =	stream.indirect.gather [hbm4b:s3+s11], $0x20, s13, s11, $0xb8;
	[tilespmem:$0x1A400] =	vst v63  }
0x30: {  	s13 =	simm.s32 $0x400  }
0x31: {  	[tilespmem:s18], [sflag:$0x2] =	stream.indirect.gather [hbm4b:s3+s11], $0x20, s13, s11, $0xb8;
	[tilespmem:$0x1A400] =	vst v63  }
0x32: {  	s13 =	simm.s32 $0x480  }
0x33: {  	[tilespmem:s22], [sflag:$0x2] =	stream.indirect.gather [hbm4b:s3+s11], $0x20, s13, s11, $0xb8;
	[tilespmem:$0x1A400] =	vst v63  }
0x34: {  	s13 =	simm.s32 $0x500  }
0x35: {  	[tilespmem:s1], [sflag:$0x3] =	stream.indirect.gather [hbm4b:s3+s11], $0x20, s13, s11, $0xb8;
	[tilespmem:$0x1A400] =	vst v63  }
0x36: {  	s13 =	simm.s32 $0x580  }
0x37: {  	[tilespmem:s26], [sflag:$0x3] =	stream.indirect.gather [hbm4b:s3+s11], $0x20, s13, s11, $0xb8;
	[tilespmem:$0x1A400] =	vst v63  }
0x38: {  	s13 =	simm.s32 $0x600  }
0x39: {  	[tilespmem:s16], [sflag:$0x3] =	stream.indirect.gather [hbm4b:s3+s11], $0x20, s13, s11, $0xb8;
	[tilespmem:$0x1A400] =	vst v63  }
0x3a: {  	s13 =	simm.s32 $0x680  }
0x3b: {  	[tilespmem:s24], [sflag:$0x3] =	stream.indirect.gather [hbm4b:s3+s11], $0x20, s13, s11, $0xb8;
	[tilespmem:$0x1A400] =	vst v63  }
0x3c: {  	s13 =	simm.s32 $0x700  }
0x3d: {  	[tilespmem:s0], [sflag:$0x3] =	stream.indirect.gather [hbm4b:s3+s11], $0x20, s13, s11, $0xb8;
	[tilespmem:$0x1A400] =	vst v63  }
0x3e: {  	s13 =	simm.s32 $0x780  }
0x3f: {  	[tilespmem:s31], [sflag:$0x4] =	stream.indirect.gather [hbm4b:s3+s11], $0x20, s13, s11, $0xb8;
	[tilespmem:$0x1A400] =	vst v63  }
0x40: {  	s28 =	simm.s32 $0x16400;
	s13 =	simm.s32 $0x800  }
0x41: {  	[tilespmem:s28], [sflag:$0x4] =	stream.indirect.gather [hbm4b:s3+s11], $0x20, s13, s11, $0xb8;
	[tilespmem:$0x1A400] =	vst v63  }
0x42: {  	s13 =	simm.s32 $0x880  }
0x43: {  	[tilespmem:s29], [sflag:$0x4] =	stream.indirect.gather [hbm4b:s3+s11], $0x20, s13, s11, $0xb8;
	[tilespmem:$0x1A400] =	vst v63  }
0x44: {  	s13 =	simm.s32 $0x900  }
0x45: {  	[tilespmem:s30], [sflag:$0x4] =	stream.indirect.gather [hbm4b:s3+s11], $0x20, s13, s11, $0xb8;
	[tilespmem:$0x1A400] =	vst v63  }
0x46: {  	s28 =	simm.s32 $0x980;
	s13 =	simm.s32 $0x19400  }
0x47: {  	[tilespmem:s13], [sflag:$0x4] =	stream.indirect.gather [hbm4b:s3+s11], $0x20, s28, s11, $0xb8;
	[tilespmem:$0x1A400] =	vst v63  }
0x48: {  	_ =	swait.ge [sflag:s20], $0x5000  }
0x49: {  	s13 =	rddreg [dreg:$0x6];
	[sflag:s20] =	ssyncset.done $0x0  }
0x4a: {  	[sflag:s20] =	ssyncadd.s32 $0xFFFFB000;
	s13 =	sadd.s32 $0x0, s13  }
0x4b: {  	[hbm4b:s13+s2] =	stream.linear.scatter [tilespmem:s12], [sflag:$0x5], $0x5000, $0x38;
	[tilespmem:$0x1A400] =	vst v63  }
0x4c: {  	_ =	swait.ge [sflag:s4], $0x5000  }
0x4d: {  	s13 =	rddreg [dreg:$0x5];
	[sflag:s4] =	ssyncset.done $0x0  }
0x4e: {  	[sflag:s4] =	ssyncadd.s32 $0xFFFFB000;
	s13 =	sadd.s32 $0x0, s13  }
0x4f: {  	[hbm4b:s13+s2] =	stream.linear.scatter [tilespmem:s21], [sflag:$0x6], $0x5000, $0x38;
	[tilespmem:$0x1A400] =	vst v63  }
0x50: {  	_ =	swait.ge [sflag:s5], $0x5000  }
0x51: {  	s13 =	rddreg [dreg:$0x4];
	[sflag:s5] =	ssyncset.done $0x0  }
0x52: {  	[sflag:s5] =	ssyncadd.s32 $0xFFFFB000;
	s13 =	sadd.s32 $0x0, s13  }
0x53: {  	[hbm4b:s13+s2] =	stream.linear.scatter [tilespmem:s1], [sflag:$0x7], $0x5000, $0x38;
	[tilespmem:$0x1A400] =	vst v63  }
0x54: {  	_ =	swait.ge [sflag:s6], $0x5000  }
0x55: {  	s13 =	rddreg [dreg:$0x3];
	[sflag:s6] =	ssyncset.done $0x0  }
0x56: {  	[sflag:s6] =	ssyncadd.s32 $0xFFFFB000;
	s13 =	sadd.s32 $0x0, s13  }
0x57: {  	[hbm4b:s13+s2] =	stream.linear.scatter [tilespmem:s31], [sflag:$0x8], $0x5000, $0x38;
	[tilespmem:$0x1A400] =	vst v63  }
0x58: {  	_ =	swait.ge [sflag:s7], $0x5000  }
0x59: {  	[sflag:s7] =	ssyncset.done $0x0  }
0x5a: {  	s13 =	simm.s32 $0xA00;
	[sflag:s7] =	ssyncadd.s32 $0xFFFFB000  }
0x5b: {  	[tilespmem:s12], [sflag:$0x1] =	stream.indirect.gather [hbm4b:s3+s11], $0x20, s13, s11, $0xb8;
	[tilespmem:$0x1A400] =	vst v63  }
0x5c: {  	s13 =	simm.s32 $0xA80  }
0x5d: {  	[tilespmem:s15], [sflag:$0x1] =	stream.indirect.gather [hbm4b:s3+s11], $0x20, s13, s11, $0xb8;
	[tilespmem:$0x1A400] =	vst v63  }
0x5e: {  	s15 =	simm.s32 $0xB00  }
0x5f: {  	[tilespmem:s17], [sflag:$0x1] =	stream.indirect.gather [hbm4b:s3+s11], $0x20, s15, s11, $0xb8;
	[tilespmem:$0x1A400] =	vst v63  }
0x60: {  	s17 =	simm.s32 $0xB80  }
0x61: {  	[tilespmem:s19], [sflag:$0x1] =	stream.indirect.gather [hbm4b:s3+s11], $0x20, s17, s11, $0xb8;
	[tilespmem:$0x1A400] =	vst v63  }
0x62: {  	s19 =	simm.s32 $0xC00  }
0x63: {  	[tilespmem:s23], [sflag:$0x1] =	stream.indirect.gather [hbm4b:s3+s11], $0x20, s19, s11, $0xb8;
	[tilespmem:$0x1A400] =	vst v63  }
0x64: {  	_ =	swait.ge [sflag:s8], $0x5000  }
0x65: {  	[sflag:s8] =	ssyncset.done $0x0  }
0x66: {  	s15 =	simm.s32 $0xC80;
	[sflag:s8] =	ssyncadd.s32 $0xFFFFB000  }
0x67: {  	[tilespmem:s21], [sflag:$0x2] =	stream.indirect.gather [hbm4b:s3+s11], $0x20, s15, s11, $0xb8;
	[tilespmem:$0x1A400] =	vst v63  }
0x68: {  	s17 =	simm.s32 $0xD00  }
0x69: {  	[tilespmem:s25], [sflag:$0x2] =	stream.indirect.gather [hbm4b:s3+s11], $0x20, s17, s11, $0xb8;
	[tilespmem:$0x1A400] =	vst v63  }
0x6a: {  	s19 =	simm.s32 $0xD80  }
0x6b: {  	[tilespmem:s14], [sflag:$0x2] =	stream.indirect.gather [hbm4b:s3+s11], $0x20, s19, s11, $0xb8;
	[tilespmem:$0x1A400] =	vst v63  }
0x6c: {  	s23 =	simm.s32 $0xE00  }
0x6d: {  	[tilespmem:s18], [sflag:$0x2] =	stream.indirect.gather [hbm4b:s3+s11], $0x20, s23, s11, $0xb8;
	[tilespmem:$0x1A400] =	vst v63  }
0x6e: {  	s25 =	simm.s32 $0xE80  }
0x6f: {  	[tilespmem:s22], [sflag:$0x2] =	stream.indirect.gather [hbm4b:s3+s11], $0x20, s25, s11, $0xb8;
	[tilespmem:$0x1A400] =	vst v63  }
0x70: {  	_ =	swait.ge [sflag:s9], $0x5000  }
0x71: {  	[sflag:s9] =	ssyncset.done $0x0  }
0x72: {  	s14 =	simm.s32 $0xF00;
	[sflag:s9] =	ssyncadd.s32 $0xFFFFB000  }
0x73: {  	[tilespmem:s1], [sflag:$0x3] =	stream.indirect.gather [hbm4b:s3+s11], $0x20, s14, s11, $0xb8;
	[tilespmem:$0x1A400] =	vst v63  }
0x74: {  	s15 =	simm.s32 $0xF80  }
0x75: {  	[tilespmem:s26], [sflag:$0x3] =	stream.indirect.gather [hbm4b:s3+s11], $0x20, s15, s11, $0xb8;
	[tilespmem:$0x1A400] =	vst v63  }
0x76: {  	s17 =	simm.s32 $0x1000  }
0x77: {  	[tilespmem:s16], [sflag:$0x3] =	stream.indirect.gather [hbm4b:s3+s11], $0x20, s17, s11, $0xb8;
	[tilespmem:$0x1A400] =	vst v63  }
0x78: {  	s18 =	simm.s32 $0x1080  }
0x79: {  	[tilespmem:s24], [sflag:$0x3] =	stream.indirect.gather [hbm4b:s3+s11], $0x20, s18, s11, $0xb8;
	[tilespmem:$0x1A400] =	vst v63  }
0x7a: {  	s28 =	simm.s32 $0xA400;
	s19 =	simm.s32 $0x1100  }
0x7b: {  	[tilespmem:s0], [sflag:$0x3] =	stream.indirect.gather [hbm4b:s3+s11], $0x20, s19, s11, $0xb8;
	[tilespmem:$0x1A400] =	vst v63  }
0x7c: {  	s13 =	simm.s32 $0x2800;
	s23 =	simm.s32 $0x1200;
	_ =	swait.ge [sflag:s10], $0x5000  }
0x7d: {  	s22 =	simm.s32 $0x1180;
	s25 =	simm.s32 $0x1280;
	[sflag:s10] =	ssyncset.done $0x0  }
0x7e: {  	s14 =	simm.s32 $0xD400;
	s26 =	simm.s32 $0x1300;
	[sflag:s10] =	ssyncadd.s32 $0xFFFFB000  }
0x7f: {  	[tilespmem:s31], [sflag:$0x4] =	stream.indirect.gather [hbm4b:s3+s11], $0x20, s22, s11, $0xb8;
	[tilespmem:$0x1A400] =	vst v63  }
0x80: {  	s15 =	simm.s32 $0x1380;
	s16 =	simm.s32 $0x12400;
	s24 =	simm.s32 $0x16400  }
0x81: {  	[tilespmem:s24], [sflag:$0x4] =	stream.indirect.gather [hbm4b:s3+s11], $0x20, s23, s11, $0xb8;
	[tilespmem:$0x1A400] =	vst v63  }
0x82: {  	s18 =	simm.s32 $0xE400;
	s0 =	simm.s32 $0x14400;
	s22 =	simm.s32 $0xF400  }
0x83: {  	[tilespmem:s29], [sflag:$0x4] =	stream.indirect.gather [hbm4b:s3+s11], $0x20, s25, s11, $0xb8;
	[tilespmem:$0x1A400] =	vst v63  }
0x84: {  	s24 =	simm.s32 $0x13400;
	s23 =	simm.s32 $0x8400;
	s25 =	simm.s32 $0x17400  }
0x85: {  	[tilespmem:s30], [sflag:$0x4] =	stream.indirect.gather [hbm4b:s3+s11], $0x20, s26, s11, $0xb8;
	[tilespmem:$0x1A400] =	vst v63  }
0x86: {  	s29 =	simm.s32 $0x16400;
	s30 =	simm.s32 $0xC400;
	s26 =	simm.s32 $0x11400  }
.LBB2_2:
0x87: {  	s17 =	simm.s32 $0x19400  }
0x88: {  	[tilespmem:s17], [sflag:$0x4] =	stream.indirect.gather [hbm4b:s3+s11], $0x20, s15, s11, $0xb8;
	[tilespmem:$0x1A400] =	vst v63  }
0x89: {  	_ =	swait.ge [sflag:s20], $0x5000  }
0x8a: {  	s15 =	smov.u32 s13;
	s19 =	rddreg [dreg:$0x6];
	[sflag:s20] =	ssyncset.done $0x0  }
0x8b: {  	[sflag:s20] =	ssyncadd.s32 $0xFFFFB000;
	s17 =	sadd.s32 s15, s19  }
0x8c: {  	[hbm4b:s17+s2] =	stream.linear.scatter [tilespmem:s12], [sflag:$0x5], $0x5000, $0x38;
	[tilespmem:$0x1A400] =	vst v63  }
0x8d: {  	_ =	swait.ge [sflag:s4], $0x5000  }
0x8e: {  	s19 =	rddreg [dreg:$0x5];
	[sflag:s4] =	ssyncset.done $0x0  }
0x8f: {  	[sflag:s4] =	ssyncadd.s32 $0xFFFFB000;
	s17 =	sadd.s32 s15, s19  }
0x90: {  	[hbm4b:s17+s2] =	stream.linear.scatter [tilespmem:s21], [sflag:$0x6], $0x5000, $0x38;
	[tilespmem:$0x1A400] =	vst v63  }
0x91: {  	_ =	swait.ge [sflag:s5], $0x5000  }
0x92: {  	s19 =	rddreg [dreg:$0x4];
	[sflag:s5] =	ssyncset.done $0x0  }
0x93: {  	[sflag:s5] =	ssyncadd.s32 $0xFFFFB000;
	s17 =	sadd.s32 s15, s19  }
0x94: {  	[hbm4b:s17+s2] =	stream.linear.scatter [tilespmem:s1], [sflag:$0x7], $0x5000, $0x38;
	[tilespmem:$0x1A400] =	vst v63  }
0x95: {  	_ =	swait.ge [sflag:s6], $0x5000  }
0x96: {  	s19 =	rddreg [dreg:$0x3];
	[sflag:s6] =	ssyncset.done $0x0  }
0x97: {  	[sflag:s6] =	ssyncadd.s32 $0xFFFFB000;
	s17 =	sadd.s32 s15, s19  }
0x98: {  	[hbm4b:s17+s2] =	stream.linear.scatter [tilespmem:s31], [sflag:$0x8], $0x5000, $0x38;
	[tilespmem:$0x1A400] =	vst v63  }
0x99: {  	_ =	swait.ge [sflag:s7], $0x5000  }
0x9a: {  	s15 =	sshra.s32 s15, $0x2;
	[sflag:s7] =	ssyncset.done $0x0  }
0x9b: {  	s19 =	sadd.s32 $0xA00, s15;
	[sflag:s7] =	ssyncadd.s32 $0xFFFFB000  }
0x9c: {  	[tilespmem:s12], [sflag:$0x1] =	stream.indirect.gather [hbm4b:s3+s11], $0x20, s19, s11, $0xb8;
	[tilespmem:$0x1A400] =	vst v63  }
0x9d: {  	s17 =	sadd.s32 $0xA80, s15;
	s19 =	simm.s32 $0x7400  }
0x9e: {  	[tilespmem:s19], [sflag:$0x1] =	stream.indirect.gather [hbm4b:s3+s11], $0x20, s17, s11, $0xb8;
	[tilespmem:$0x1A400] =	vst v63  }
0x9f: {  	s19 =	sadd.s32 $0xB00, s15  }
0xa0: {  	[tilespmem:s23], [sflag:$0x1] =	stream.indirect.gather [hbm4b:s3+s11], $0x20, s19, s11, $0xb8;
	[tilespmem:$0x1A400] =	vst v63  }
0xa1: {  	s17 =	sadd.s32 $0xB80, s15;
	s19 =	simm.s32 $0x9400  }
0xa2: {  	[tilespmem:s19], [sflag:$0x1] =	stream.indirect.gather [hbm4b:s3+s11], $0x20, s17, s11, $0xb8;
	[tilespmem:$0x1A400] =	vst v63  }
0xa3: {  	s19 =	sadd.s32 $0xC00, s15  }
0xa4: {  	[tilespmem:s28], [sflag:$0x1] =	stream.indirect.gather [hbm4b:s3+s11], $0x20, s19, s11, $0xb8;
	[tilespmem:$0x1A400] =	vst v63  }
0xa5: {  	_ =	swait.ge [sflag:s8], $0x5000  }
0xa6: {  	[sflag:s8] =	ssyncset.done $0x0  }
0xa7: {  	s19 =	sadd.s32 $0xC80, s15;
	[sflag:s8] =	ssyncadd.s32 $0xFFFFB000  }
0xa8: {  	[tilespmem:s21], [sflag:$0x2] =	stream.indirect.gather [hbm4b:s3+s11], $0x20, s19, s11, $0xb8;
	[tilespmem:$0x1A400] =	vst v63  }
0xa9: {  	s19 =	sadd.s32 $0xD00, s15  }
0xaa: {  	[tilespmem:s30], [sflag:$0x2] =	stream.indirect.gather [hbm4b:s3+s11], $0x20, s19, s11, $0xb8;
	[tilespmem:$0x1A400] =	vst v63  }
0xab: {  	s19 =	sadd.s32 $0xD80, s15  }
0xac: {  	[tilespmem:s14], [sflag:$0x2] =	stream.indirect.gather [hbm4b:s3+s11], $0x20, s19, s11, $0xb8;
	[tilespmem:$0x1A400] =	vst v63  }
0xad: {  	s19 =	sadd.s32 $0xE00, s15  }
0xae: {  	[tilespmem:s18], [sflag:$0x2] =	stream.indirect.gather [hbm4b:s3+s11], $0x20, s19, s11, $0xb8;
	[tilespmem:$0x1A400] =	vst v63  }
0xaf: {  	s19 =	sadd.s32 $0xE80, s15  }
0xb0: {  	[tilespmem:s22], [sflag:$0x2] =	stream.indirect.gather [hbm4b:s3+s11], $0x20, s19, s11, $0xb8;
	[tilespmem:$0x1A400] =	vst v63  }
0xb1: {  	_ =	swait.ge [sflag:s9], $0x5000  }
0xb2: {  	[sflag:s9] =	ssyncset.done $0x0  }
0xb3: {  	s19 =	sadd.s32 $0xF00, s15;
	[sflag:s9] =	ssyncadd.s32 $0xFFFFB000  }
0xb4: {  	[tilespmem:s1], [sflag:$0x3] =	stream.indirect.gather [hbm4b:s3+s11], $0x20, s19, s11, $0xb8;
	[tilespmem:$0x1A400] =	vst v63  }
0xb5: {  	s19 =	sadd.s32 $0xF80, s15  }
0xb6: {  	[tilespmem:s26], [sflag:$0x3] =	stream.indirect.gather [hbm4b:s3+s11], $0x20, s19, s11, $0xb8;
	[tilespmem:$0x1A400] =	vst v63  }
0xb7: {  	s19 =	sadd.s32 $0x1000, s15  }
0xb8: {  	[tilespmem:s16], [sflag:$0x3] =	stream.indirect.gather [hbm4b:s3+s11], $0x20, s19, s11, $0xb8;
	[tilespmem:$0x1A400] =	vst v63  }
0xb9: {  	s19 =	sadd.s32 $0x1080, s15  }
0xba: {  	[tilespmem:s24], [sflag:$0x3] =	stream.indirect.gather [hbm4b:s3+s11], $0x20, s19, s11, $0xb8;
	[tilespmem:$0x1A400] =	vst v63  }
0xbb: {  	s19 =	sadd.s32 $0x1100, s15  }
0xbc: {  	[tilespmem:s0], [sflag:$0x3] =	stream.indirect.gather [hbm4b:s3+s11], $0x20, s19, s11, $0xb8;
	[tilespmem:$0x1A400] =	vst v63  }
0xbd: {  	_ =	swait.ge [sflag:s10], $0x5000  }
0xbe: {  	[sflag:s10] =	ssyncset.done $0x0  }
0xbf: {  	s19 =	sadd.s32 $0x1180, s15;
	[sflag:s10] =	ssyncadd.s32 $0xFFFFB000  }
0xc0: {  	[tilespmem:s31], [sflag:$0x4] =	stream.indirect.gather [hbm4b:s3+s11], $0x20, s19, s11, $0xb8;
	[tilespmem:$0x1A400] =	vst v63  }
0xc1: {  	p0 =	sne.s32 s13, $0x14000;
	s19 =	sadd.s32 $0x1200, s15  }
0xc2: {  	[tilespmem:s29], [sflag:$0x4] =	stream.indirect.gather [hbm4b:s3+s11], $0x20, s19, s11, $0xb8;
	[tilespmem:$0x1A400] =	vst v63  }
.Ltmp0:
0xc3: {  	_ = 	snop;
	(pc) =	sbr.rel @p0 .LBB2_2-.Ltmp0, $4  }
0xc4: {  	s13 =	sadd.s32 $0x2800, s13;
	s19 =	sadd.s32 $0x1280, s15  }
0xc5: {  	[tilespmem:s25], [sflag:$0x4] =	stream.indirect.gather [hbm4b:s3+s11], $0x20, s19, s11, $0xb8;
	[tilespmem:$0x1A400] =	vst v63  }
0xc6: {  	s17 =	sadd.s32 $0x1300, s15;
	s15 =	sadd.s32 $0x1380, s15;
	s19 =	simm.s32 $0x18400  }
0xc7: {  	[tilespmem:s19], [sflag:$0x4] =	stream.indirect.gather [hbm4b:s3+s11], $0x20, s17, s11, $0xb8;
	[tilespmem:$0x1A400] =	vst v63  }
0xc8: {  	s0 =	simm.s32 $0x19400  }
0xc9: {  	[tilespmem:s0], [sflag:$0x4] =	stream.indirect.gather [hbm4b:s3+s11], $0x20, s15, s11, $0xb8;
	[tilespmem:$0x1A400] =	vst v63  }
0xca: {  	_ =	swait.ge [sflag:s20], $0x5000  }
0xcb: {  	[sflag:s20] =	ssyncset.done $0x0  }
0xcc: {  	s13 =	rddreg [dreg:$0x8];
	[sflag:s20] =	ssyncadd.s32 $0xFFFFB000  }
0xcd: {  	[hbm4b:s13+s2] =	stream.linear.scatter [tilespmem:s12], [sflag:$0x5], $0x5000, $0x38;
	[tilespmem:$0x1A400] =	vst v63  }
0xce: {  	_ =	swait.ge [sflag:s4], $0x5000  }
0xcf: {  	[sflag:s4] =	ssyncset.done $0x0  }
0xd0: {  	s23 =	rddreg [dreg:$0x9];
	[sflag:s4] =	ssyncadd.s32 $0xFFFFB000  }
0xd1: {  	[hbm4b:s23+s2] =	stream.linear.scatter [tilespmem:s21], [sflag:$0x6], $0x5000, $0x38;
	[tilespmem:$0x1A400] =	vst v63  }
0xd2: {  	_ =	swait.ge [sflag:s5], $0x5000  }
0xd3: {  	[sflag:s5] =	ssyncset.done $0x0  }
0xd4: {  	s24 =	rddreg [dreg:$0xa];
	[sflag:s5] =	ssyncadd.s32 $0xFFFFB000  }
0xd5: {  	[hbm4b:s24+s2] =	stream.linear.scatter [tilespmem:s1], [sflag:$0x7], $0x5000, $0x38;
	[tilespmem:$0x1A400] =	vst v63  }
0xd6: {  	_ =	swait.ge [sflag:s6], $0x5000  }
0xd7: {  	[sflag:s6] =	ssyncset.done $0x0  }
0xd8: {  	s25 =	rddreg [dreg:$0xb];
	[sflag:s6] =	ssyncadd.s32 $0xFFFFB000  }
0xd9: {  	[hbm4b:s25+s2] =	stream.linear.scatter [tilespmem:s31], [sflag:$0x8], $0x5000, $0x38;
	[tilespmem:$0x1A400] =	vst v63  }
0xda: {  	_ =	swait.ge [sflag:s7], $0x5000  }
0xdb: {  	[sflag:s7] =	ssyncset.done $0x0  }
0xdc: {  	[sflag:s7] =	ssyncadd.s32 $0xFFFFB000  }
0xdd: {  	_ =	swait.ge [sflag:s8], $0x5000  }
0xde: {  	[sflag:s8] =	ssyncset.done $0x0  }
0xdf: {  	[sflag:s8] =	ssyncadd.s32 $0xFFFFB000  }
0xe0: {  	_ =	swait.ge [sflag:s9], $0x5000  }
0xe1: {  	[sflag:s9] =	ssyncset.done $0x0  }
0xe2: {  	[sflag:s9] =	ssyncadd.s32 $0xFFFFB000  }
0xe3: {  	_ =	swait.ge [sflag:s10], $0x5000  }
0xe4: {  	s28 =	rddreg [dreg:$0xd]  }
0xe5: {  	s26 =	rddreg [dreg:$0xc];
	s28 =	sadd.s32 $0x1, s28  }
0xe6: {  	s17 =	simm.s32 $0x8400;
	s19 =	simm.s32 $0x9400;
	p0 =	sne.s32 s28, s26  }
.Ltmp1:
0xe7: {  	s14 =	simm.s32 $0xD400;
	s18 =	simm.s32 $0xE400;
	(pc) =	sbr.rel @p0 .LBB2_1-.Ltmp1, $4  }
0xe8: {  	s22 =	simm.s32 $0xF400;
	s16 =	simm.s32 $0x12400;
	s29 =	simm.s32 $0x17400  }
0xe9: {  	s30 =	simm.s32 $0x18400;
	s15 =	simm.s32 $0x7400;
	s0 =	simm.s32 $0x14400  }
0xea: {  	s23 =	simm.s32 $0xA400;
	s24 =	simm.s32 $0x13400;
	[sflag:s10] =	ssyncset.done $0x0  }
0xeb: {  	s25 =	simm.s32 $0xC400;
	[sflag:s10] =	ssyncadd.s32 $0xFFFFB000;
	s26 =	simm.s32 $0x11400  }
0xec: {  	_ =	sfence.sel $0x180000  }
0xed: {  	[bflag:$0x0] =	sbarrier.arrive $0xFFFF  }
0xee: {  	_ =	strace $0x90000047  }
0xef: {  	s0 =	stileid.u32;
	[bflag:$0x2] =	sbarrier.arrive $0xFFFF  }
0xf0: {  	p0 =	sne.s32 s0, $0x0;
	s0 =	rddreg [dreg:$0x2]  }
0xf1: {  	s0 =	sadd.s32 @!p0 $0x100000, s0  }
0xf2: {  	[sflag:s0] =	ssyncadd.tile.s32 @!p0 $0x1;
	_ =	shalt  }
.Lfunc_end2:
_tile_overlayer_lowered:
.L_overlay_start_2:
0xf3: {  	(tag) =	ssettag $0x2  }
0xf4: {  	s0 =	rddreg [dreg:$0x0];
	s2 =	stileid.u32  }
0xf5: {  	s1 =	rddreg [dreg:$0x1];
	p0 =	sne.s32 s2, $0x0  }
0xf6: {  	s3 =	rddreg [dreg:$0x2];
	[bflag:$0x3] =	sbarrier.arrive $0xFFFF;
	s2 =	simm.s32 @!p0 $0x1C09  }
0xf7: {  	[timem:s3], [sflag:s2] =	dma.local @!p0 [hbm:s0], s1  }
0xf8: {  	s0 =	simm.s32 @!p0 $0x9  }
0xf9: {  	_ =	swait.ge @!p0 [sflag:s0], s1  }
0xfa: {  	s1 =	ssub.s32 @!p0 $0x0, s1;
	[sflag:s0] =	ssyncset.done @!p0 $0x0  }
0xfb: {  	[sflag:s0] =	ssyncadd.s32 @!p0 s1  }
0xfc: {  	[bflag:$0x3] =	sbarrier.arrive $0xFFFF  }
0xfd: {  	_ =	shalt  }

// kernel: sparse-core-data-format-call.cloned.1.call-start
scs
called_computation_lowered:
.L_overlay_start_0:
0x0: {  	s2 =	sld [smem:$0x3FD9]  }
0x1: {  	s3 =	sld [smem:$0x3FFE];
	_ =	sdelay $0x1  }
0x2: {  	s1 =	srdreg.scid  }
0x3: {  	s0 =	sand.u32 $0x1, s1  }
0x4: {  	s18 =	sshll.u32 s0, $0xA;
	s2 =	sadd.s32 s3, s2  }
0x5: {  	s2 =	sadd.s32 s2, s18  }
0x6: {  	[smem:$0x3FC6] =	sst s2  }
0x7: {  	_ = 	snop  }
0x8: {  	s2 =	sld [smem:$0x3FD0];
	(tm) =	ssettm $0x1  }
0x9: {  	s19 =	sld [smem:$0x3FFB];
	_ =	sdelay $0x3  }
0xa: {  	_ =	strace s19  }
0xb: {  	s3 =	sld [smem:$0x3FFC];
	_ =	sdelay $0x3  }
0xc: {  	_ =	strace s3  }
0xd: {  	s3 =	sld [smem:$0x3FFD];
	_ =	sdelay $0x3  }
0xe: {  	_ =	strace s3  }
0xf: {  	_ =	strace $0x8FFFFFFF  }
0x10: {  	s20 =	sld [smem:$0x3FDB];
	_ =	sdelay $0x1  }
0x11: {  	s4 =	simm.s32 $_scs_section_size  }
0x12: {  	s5 =	simm.s32 $_size__tile_overlayer_lowered;
	s6 =	simm.s32 $_tile_overlayer_lowered  }
0x13: {  	s23 =	simm.s32 $0x1BFF;
	s22 =	sshll.u32 s6, $0x1;
	s3 =	sadd.s32 s4, s20  }
0x14: {  	s7 =	simm.s32 $0x0;
	s21 =	sshll.u32 s5, $0x1;
	s5 =	sadd.s32 s22, s3  }
0x15: {  	[timem:s7], [sflag:s23] =	dma.local [hbm:s5], s21  }
0x16: {  	_ =	swait.ge [sflag:s23], s21  }
0x17: {  	s4 =	ssub.s32 $0x0, s21;
	[sflag:s23] =	ssyncset.done $0x0  }
0x18: {  	[sflag:s23] =	ssyncadd.s32 s4;
	_ =	sdelay $0x1  }
0x19: {  	s24 =	simm.s32 $0x1B8B  }
0x1a: {  	_ =	swait.ge [sflag:s24], $0x1  }
0x1b: {  	[sflag:s24] =	ssyncset.done $0x0  }
0x1c: {  	s26 =	simm.s32 $0x1B8E;
	s25 =	sld [smem:$0x3FFE];
	[sflag:s24] =	ssyncadd.s32 $0xFFFFFFFF  }
0x1d: {  	s27 =	simm.s32 $execute0_lowered;
	[smem:$0x3FD2] =	sst s26  }
0x1e: {  	s5 =	sshll.u32 s27, $0x1;
	_ =	strace $0x80000049;
	[dreg:$0x1] =	wrdreg $0xFFFFFFFF  }
0x1f: {  	s28 =	simm.s32 $_size_execute0_lowered;
	s3 =	sadd.s32 s3, s5;
	[dreg:$0x0] =	wrdreg $0x0  }
0x20: {  	s5 =	sshll.u32 s28, $0x1;
	[dreg:$0x2] =	wrdreg s3  }
0x21: {  	[dreg:$0x3] =	wrdreg s5  }
0x22: {  	[dreg:$0x4] =	wrdreg $0xC0  }
0x23: {  	_ =	task [dreg:s7], $0x5FFFF  }
0x24: {  	[dreg:$0x1] =	wrdreg $0xFFFFFFFF  }
0x25: {  	[dreg:$0x0] =	wrdreg $0x60  }
0x26: {  	[dreg:$0x2] =	wrdreg s25  }
0x27: {  	[dreg:$0x3] =	wrdreg s2  }
0x28: {  	[dreg:$0x4] =	wrdreg $0x9  }
0x29: {  	_ =	task.clear_ibuf [dreg:s7], $0x5FFFF;
	_ =	strace $0x90000049  }
0x2a: {  	s29 =	simm.s32 $0x9;
	_ =	strace $0x8000004B  }
0x2b: {  	_ =	swait.ge [sflag:s29], $0x1  }
0x2c: {  	[sflag:s29] =	ssyncadd.s32 $0xFFFFFFFF  }
0x2d: {  	_ =	strace $0x9000004B  }
0x2e: {  	_ =	sfence  }
0x2f: {  	s30 =	sld [smem:$0x0];
	_ =	sdelay $0x2  }
0x30: {  	s31 =	sshll.u32 s1, $0xD;
	s1 =	sshrl.u32 s1, $0x2  }
0x31: {  	s3 =	sand.u32 $0x4000, s31;
	s1 =	sadd.s32 s1, s30  }
0x32: {  	s0 =	sor.u32 s3, s0;
	s1 =	sshll.u32 s1, $0x11  }
0x33: {  	s0 =	sor.u32 s1, s0  }
0x34: {  	s0 =	sadd.s32 $0x8F2B, s0  }
0x35: {  	[sflag:s0] =	ssyncadd.remote.s32 $0x1  }
0x36: {  	_ =	sfence.sel $0xFFFF  }
0x37: {  	[dreg:$0x0] =	wrdreg $0xFFFFFFFF;
	(pc) =	sbr.abs _section_cstart, $3  }
0x38: {  	[dreg:$0x1] =	wrdreg $0xFFFFFFFF  }
0x39: {  	_ =	task.clear_ibuf [dreg:s7], $0x2FFFF;
	_ =	strace $0x9FFFFFFF  }
0x3a: {  	(tm) =	ssettm $0x7FFFFFFF  }
0x3b: {  	_ =	shalt  }
tec
execute0_lowered:
.L_overlay_start_1:
0x0: {  	(tag) =	ssettag $0x1  }
0x1: {  	s0 =	srdreg.scid  }
0x2: {  	s1 =	sshll.u32 s0, $0x4  }
0x3: {  	s0 =	stileid.u32;
	s1 =	sand.u32 $0x10, s1  }
0x4: {  	s7 =	rddreg [dreg:$0x0];
	s1 =	sor.u32 s0, s1  }
0x5: {  	s4 =	simm.s32 $0x1;
	s8 =	simm.s32 $0x2;
	s2 =	sshll.u32 s1, $0x7  }
0x6: {  	s13 =	simm.s32 $0x0;
	s9 =	simm.s32 $0x20000;
	s1 =	ssub.s32 $0x4000, s2  }
0x7: {  	s14 =	simm.s32 $0x0;
	s11 =	simm.s32 $0x0;
	s3 =	sand.u32 $0xF80, s1  }
0x8: {  	s12 =	simm.s32 $0x0;
	s5 =	sshrl.u32 s1, $0xC;
	p0 =	sne.s32 s3, $0x0  }
.Ltmp0:
0x9: {  	s1 =	rddreg [dreg:$0x2];
	s4 =	simm.s32 @!p0 $0x0;
	(pc) =	sbr.rel .LBB1_1-.Ltmp0, $4  }
0xa: {  	s6 =	sadd.s32 $0xA00, s7;
	s3 =	rddreg [dreg:$0x1];
	s5 =	sadd.s32 s4, s5  }
0xb: {  	_ =	strace $0x8000004A;
	s4 =	simm.s32 $0x1;
	s5 =	smul.u32 $0x19, s5  }
0xc: {  	s7 =	sadd.s32 $0x40A00, s7;
	s10 =	smov.u32 s2;
	[sflag:s4] =	ssyncpa.u1 $0x0  }
0xd: {  	p0 =	por $0x0, $0x0;
	[sflag:s8] =	ssyncpa.u1 $0x0;
	s8 =	sadd.s32 $0x1, s5  }
.LBB1_7:
0xe: {  	s15 =	sadd.s32 $0x1000, s10  }
0xf: {  	s13 =	sadd.s32 $0x2, s11;
	s17 =	smov.u32 s11;
	p2 =	sgt.s32 s15, $0x3FFF  }
0x10: {  	s17 =	smov.u32 @p2 s13  }
0x11: {  	s15 =	smov.u32 @p2 s2;
	p2 =	sgt.s32 s17, $0x31  }
0x12: {  	s17 =	simm.s32 @p2 $0x0;
	p2 =	sne.s32 s12, s8  }
.Ltmp1:
0x13: {  	p1 =	slt.u32 s12, $0x2;
	(pc) =	sbr.rel @!p2 .LBB1_8-.Ltmp1, $4  }
0x14: {  	s16 =	simm.s32 @!p1 $0x2  }
0x15: {  	s14 =	smov.u32 s11;
	p0 =	por !p0, !p0;
	_ =	swait.ge @!p1 [sflag:s16], $0x2000  }
0x16: {  	s13 =	smov.u32 s10;
	[sflag:s16] =	ssyncset.done @!p1 $0x0;
	s10 =	smov.u32 s15  }
0x17: {  	s12 =	sadd.s32 $0x1, s12;
	[sflag:s16] =	ssyncadd.s32 @!p1 $0xFFFFE000;
	s11 =	smov.u32 s17  }
.LBB1_1:
0x18: {  	p1 =	sge.u32 s12, s5  }
0x19: {  	s15 =	sxor.u32 @!p1 $0xFFFFFFFF, s12;
	s16 =	sshll.u32 @!p1 s11, $0x12  }
0x1a: {  	s17 =	sshll.u32 @!p1 s10, $0x4;
	s19 =	simm.s32 @!p1 $0x20;
	s20 =	simm.s32 @!p1 $0x80  }
0x1b: {  	s15 =	sshll.u32 @!p1 s15, $0xD;
	s17 =	sand.u32 @!p1 $0x3FFF0, s17;
	s18 =	sadd.s32 @!p1 s6, s16  }
0x1c: {  	s16 =	sadd.s32 @!p1 s16, s7;
	s15 =	sand.u32 @!p1 $0x2000, s15;
	s18 =	sadd.s32 @!p1 s17, s18  }
0x1d: {  	[tilespmem:s15], [sflag:$0x1] =	stream.strided.gather @!p1 [hbm4b:s18+s19], $0x1000, s20, s19, $0x38;
	[tilespmem:$0x8080] =	vst v63  }
0x1e: {  	s31 =	sadd.s32 $0xFFFFFFFF, s12;
	s16 =	sadd.s32 @!p1 s17, s16;
	s15 =	sor.u32 @!p1 $0x1000, s15  }
0x1f: {  	[tilespmem:s15], [sflag:$0x1] =	stream.strided.gather @!p1 [hbm4b:s16+s19], $0x1000, s20, s19, $0x38;
	[tilespmem:$0x8080] =	vst v63  }
0x20: {  	p1 =	sge.u32 s31, s5  }
.Ltmp2:
0x21: {  	_ = 	snop;
	(pc) =	sbr.rel @p1 .LBB1_7-.Ltmp2, $1  }
0x22: {  	_ =	sdelay $0x3  }
0x23: {  	s15 =	simm.s32 $0x1;
	s17 =	sand.u32 $0x1, s12  }
0x24: {  	_ =	swait.ge [sflag:s4], $0x2000;
	s15 =	simm.s32 @!p0 $0x0;
	s17 =	smul.u32 $0x8100, s17  }
0x25: {  	p2 =	por $0x1, $0x1;
	[sflag:s4] =	ssyncset.done $0x0;
	s16 =	smul.u32 $0x8100, s15  }
0x26: {  	s18 =	sshll.u32 s15, $0xF;
	[sflag:s4] =	ssyncadd.s32 $0xFFFFE000;
	s30 =	sshrl.u32 s17, $0x2  }
0x27: {  	s31 =	sshrl.u32 s18, $0x2;
	s18 =	simm.s32 $0x0;
	s16 =	sshrl.u32 s16, $0x2  }
0x28: {  	s15 =	sor.u32 $0x4000, s30;
	s17 =	sadd.s32 $0x10, s31;
	s16 =	sor.u32 $0x4000, s16  }
.LBB1_3:
0x29: {  	s19 =	sshll.u32 s18, $0xC  }
0x2a: {  	s19 =	sand.u32 $0x3FFFF000, s19  }
0x2b: {  	s20 =	sadd.s32 s19, s17  }
0x2c: {  	s31 =	smul.u32 $0x4080, s18;
	v1 =	vld [tilespmem:s20+$0x0]  }
0x2d: {  	v0 =	vld [tilespmem:s20+$0xFFFFFFF0]  }
0x2e: {  	s18 =	sshra.s32 s31, $0x2  }
0x2f: {  	s18 =	sadd.s32 s18, s16  }
0x30: {  	s21 =	sadd.s32 $0x0, s18  }
0x31: {  	p1 =	por p2, p2;
	s19 =	simm.s32 $0x4;
	s20 =	sadd.s32 $0x20, s20;
	[tilespmem:s21+$0x810 ss:$0x81] =	vst.msk $0xffff, v1  }
.LBB1_4:
0x32: {  	v1 =	vld [tilespmem:s20+$0x0];
	p2 =	sne.s32 s19, $0x1FC;
	[tilespmem:s21+$0x0 ss:$0x81] =	vst.msk $0xffff, v0;
	s21 =	smov.u32 s19;
	s19 =	sadd.s32 $0x4, s19  }
.Ltmp3:
0x33: {  	v0 =	vld [tilespmem:s20+$0xFFFFFFF0];
	(pc) =	sbr.rel @p2 .LBB1_4-.Ltmp3, $4  }
0x34: {  	_ = 	snop  }
0x35: {  	s21 =	sshra.s32 s21, $0x2  }
0x36: {  	s21 =	sadd.s32 s21, s18  }
0x37: {  	s20 =	sadd.s32 $0x20, s20;
	[tilespmem:s21+$0x810 ss:$0x81] =	vst.msk $0xffff, v1  }
.Ltmp4:
0x38: {  	(pc) =	sbr.rel @p1 .LBB1_3-.Ltmp4, $2  }
0x39: {  	_ =	sdelay $0x2  }
0x3a: {  	[tilespmem:s21+$0x0 ss:$0x81] =	vst.msk $0xffff, v0;
	s18 =	simm.s32 $0x1;
	p2 =	por $0x0, $0x0  }
0x3b: {  	s16 =	sshll.u32 s13, $0x3;
	s17 =	sand.u32 $0x78, s13;
	s14 =	sshll.u32 s14, $0x10  }
.Ltmp5:
0x3c: {  	s30 =	sand.u32 $0xF800, s13;
	s16 =	sand.u32 $0x3C00, s16;
	(pc) =	sbr.rel .LBB1_7-.Ltmp5, $4  }
0x3d: {  	s31 =	sand.u32 $0x7, s13;
	s14 =	sadd.s32 s3, s14;
	s16 =	sor.u32 s17, s16  }
0x3e: {  	s13 =	sshll.u32 s31, $0x12;
	s14 =	sadd.s32 s30, s14;
	s16 =	sshrl.u32 s16, $0x3  }
0x3f: {  	s13 =	sor.u32 $0x400, s13;
	s14 =	sadd.s32 s16, s14  }
0x40: {  	[hbm4b:s14+s13] =	stream.strided.scatter [tilespmem:s15], [sflag:$0x2], $0x2000, s9, s13, $0x20;
	[tilespmem:$0x8080] =	vst v63  }
.LBB1_8:
0x41: {  	_ =	sfence.sel $0x180000  }
0x42: {  	s2 =	simm.s32 $0x1;
	[bflag:$0x0] =	sbarrier.arrive $0xFFFF  }
0x43: {  	s31 =	simm.s32 $0x2;
	[sflag:s2] =	ssyncpa.u1 $0x1  }
0x44: {  	[sflag:s31] =	ssyncpa.u1 $0x1  }
0x45: {  	p0 =	sne.s32 s0, $0x0;
	_ =	strace $0x9000004A  }
0x46: {  	s0 =	sadd.s32 @!p0 $0x100000, s1;
	[bflag:$0x2] =	sbarrier.arrive $0xFFFF  }
0x47: {  	[sflag:s0] =	ssyncadd.tile.s32 @!p0 $0x1;
	_ =	shalt  }
.Lfunc_end1:
_tile_overlayer_lowered:
.L_overlay_start_2:
0x48: {  	(tag) =	ssettag $0x2  }
0x49: {  	s0 =	rddreg [dreg:$0x0];
	s2 =	stileid.u32  }
0x4a: {  	s1 =	rddreg [dreg:$0x1];
	p0 =	sne.s32 s2, $0x0  }
0x4b: {  	s3 =	rddreg [dreg:$0x2];
	[bflag:$0x3] =	sbarrier.arrive $0xFFFF;
	s2 =	simm.s32 @!p0 $0x1C01  }
0x4c: {  	[timem:s3], [sflag:s2] =	dma.local @!p0 [hbm:s0], s1  }
0x4d: {  	s0 =	simm.s32 @!p0 $0x1  }
0x4e: {  	_ =	swait.ge @!p0 [sflag:s0], s1  }
0x4f: {  	s1 =	ssub.s32 @!p0 $0x0, s1;
	[sflag:s0] =	ssyncset.done @!p0 $0x0  }
0x50: {  	[sflag:s0] =	ssyncadd.s32 @!p0 s1  }
0x51: {  	[bflag:$0x3] =	sbarrier.arrive $0xFFFF  }
0x52: {  	_ =	shalt  }

</sc_bundles>
